<compile_context>
chip_gen: v7x
topology: tpu7x:2x2x1
jax: 0.10.2.dev20260603
libtpu: 0.0.44.dev20260713+nightly
codegen_flags: <defaults>
</compile_context>

<pallas_src>
import jax
import jax.numpy as jnp
from jax import lax
from jax.experimental import pallas as pl
from jax.experimental.pallas import tpu as pltpu
from jax.experimental.pallas import tpu_sc as plsc

B = 16384
F = 64
NUM_CORES = 2
NUM_SUBCORES = 16
NW = NUM_CORES * NUM_SUBCORES
BPW = B // NW
GROUPS = BPW // 16


def _body(user_hbm, item_hbm, uf_hbm, if_hbm, ub_hbm, ib_hbm, out_hbm,
          idx_u, idx_i, uf_v, if_v, ub_v, ib_v, out_v, tr_v,
          sem_u, sem_i, sem_ub, sem_ib):
    wid = lax.axis_index("s") * NUM_CORES + lax.axis_index("c")
    base = wid * BPW

    pltpu.sync_copy(user_hbm.at[pl.ds(base, BPW)], idx_u)
    cu = pltpu.async_copy(uf_hbm.at[idx_u], uf_v, sem_u)
    cub = pltpu.async_copy(ub_hbm.at[idx_u], ub_v, sem_ub)
    pltpu.sync_copy(item_hbm.at[pl.ds(base, BPW)], idx_i)
    ci = pltpu.async_copy(if_hbm.at[idx_i], if_v, sem_i)
    cib = pltpu.async_copy(ib_hbm.at[idx_i], ib_v, sem_ib)
    cu.wait()
    ci.wait()
    cub.wait()
    cib.wait()

    col16 = lax.iota(jnp.int32, 16) * 16

    def group(g, carry):
        row0 = g * 16
        for e in range(16):
            r = row0 + e
            acc = uf_v[r, pl.ds(0, 16)] * if_v[r, pl.ds(0, 16)]
            for k in range(1, 4):
                acc = acc + uf_v[r, pl.ds(k * 16, 16)] * if_v[r, pl.ds(k * 16, 16)]
            plsc.store_scatter(tr_v, [col16 + e], acc)
        tot = tr_v[pl.ds(0, 16)]
        for j in range(1, 16):
            tot = tot + tr_v[pl.ds(j * 16, 16)]
        tot = tot + ub_v[pl.ds(row0, 16)] + ib_v[pl.ds(row0, 16)]
        out_v[pl.ds(row0, 16)] = tot
        return carry

    lax.fori_loop(0, GROUPS, group, 0)
    pltpu.sync_copy(out_v, out_hbm.at[pl.ds(base, BPW)])


def kernel(user, item, user_factors, item_factors, user_bias, item_bias):
    mesh = plsc.VectorSubcoreMesh(core_axis_name="c", subcore_axis_name="s")
    k = pl.kernel(
        _body,
        out_type=jax.ShapeDtypeStruct((B,), jnp.float32),
        mesh=mesh,
        compiler_params=pltpu.CompilerParams(
            needs_layout_passes=False, use_tc_tiling_on_sc=False),
        scratch_types=[
            pltpu.VMEM((BPW,), jnp.int32),
            pltpu.VMEM((BPW,), jnp.int32),
            pltpu.VMEM((BPW, F), jnp.float32),
            pltpu.VMEM((BPW, F), jnp.float32),
            pltpu.VMEM((BPW,), jnp.float32),
            pltpu.VMEM((BPW,), jnp.float32),
            pltpu.VMEM((BPW,), jnp.float32),
            pltpu.VMEM((256,), jnp.float32),
            pltpu.SemaphoreType.DMA,
            pltpu.SemaphoreType.DMA,
            pltpu.SemaphoreType.DMA,
            pltpu.SemaphoreType.DMA,
        ],
    )
    return k(user.astype(jnp.int32), item.astype(jnp.int32),
             user_factors, item_factors,
             user_bias.reshape(-1), item_bias.reshape(-1))

# --- scband reference (transcript-rebuilt; emitter-appended) ---
"""Pipeline reference for scband-matrix-factorization-30202210025702 (READ-ONLY COPY).

The authoritative reference and input builder live on the scoring server;
editing this copy changes nothing except your own understanding.
"""

import jax, jax.numpy as jnp
import numpy as np

NUM_USERS = 1000000
NUM_ITEMS = 1000000
N_FACTORS = 64
BATCH = 16384


def setup_inputs(seed: int = 0) -> dict:
    key = jax.random.key(seed)
    k_user, k_item, k_uf, k_if, k_ub, k_ib = jax.random.split(key, 6)
    user = jax.random.randint(k_user, (BATCH,), 0, NUM_USERS, dtype=jnp.int64 if jax.config.jax_enable_x64 else jnp.int32)
    item = jax.random.randint(k_item, (BATCH,), 0, NUM_ITEMS, dtype=jnp.int64 if jax.config.jax_enable_x64 else jnp.int32)
    user_factors = jax.random.normal(k_uf, (NUM_USERS, N_FACTORS), dtype=jnp.float32)
    item_factors = jax.random.normal(k_if, (NUM_ITEMS, N_FACTORS), dtype=jnp.float32)
    user_bias = jax.random.normal(k_ub, (NUM_USERS, 1), dtype=jnp.float32)
    item_bias = jax.random.normal(k_ib, (NUM_ITEMS, 1), dtype=jnp.float32)
    return {
        "user": user,
        "item": item,
        "user_factors": user_factors,
        "item_factors": item_factors,
        "user_bias": user_bias,
        "item_bias": item_bias,
    }


def reference(user, item, user_factors, item_factors, user_bias, item_bias):
    uf = jnp.take(user_factors, user, axis=0)          # [B, F]
    itf = jnp.take(item_factors, item, axis=0)         # [B, F]
    pred = jnp.sum(uf * itf, axis=1)                   # [B]
    ub = jnp.take(user_bias, user, axis=0).squeeze(-1) # [B]
    ib = jnp.take(item_bias, item, axis=0).squeeze(-1) # [B]
    pred = pred + ub + ib
    return pred

if __name__ == "__main__":
    import jax
    _d = setup_inputs()
    print(jax.jit(kernel)(*tuple(_d.values())))

</pallas_src>

<mosaic_0001>
#map = affine_map<(d0, d1) -> (0)>
#map1 = affine_map<(d0, d1) -> (0, 0)>
module attributes {stable_mosaic.version = 14 : i64} {
  func.func @_body(%arg0: i32, %arg1: i32, %arg2: memref<16384xi32, #tpu.memory_space<hbm>>, %arg3: memref<16384xi32, #tpu.memory_space<hbm>>, %arg4: memref<1000000x64xf32, #tpu.memory_space<hbm>>, %arg5: memref<1000000x64xf32, #tpu.memory_space<hbm>>, %arg6: memref<1000000xf32, #tpu.memory_space<hbm>>, %arg7: memref<1000000xf32, #tpu.memory_space<hbm>>, %arg8: memref<16384xf32, #tpu.memory_space<hbm>>, %arg9: memref<512xi32, #tpu.memory_space<vmem>>, %arg10: memref<512xi32, #tpu.memory_space<vmem>>, %arg11: memref<512x64xf32, #tpu.memory_space<vmem>>, %arg12: memref<512x64xf32, #tpu.memory_space<vmem>>, %arg13: memref<512xf32, #tpu.memory_space<vmem>>, %arg14: memref<512xf32, #tpu.memory_space<vmem>>, %arg15: memref<512xf32, #tpu.memory_space<vmem>>, %arg16: memref<256xf32, #tpu.memory_space<vmem>>, %arg17: memref<!tpu.dma_semaphore, #tpu.memory_space<semaphore_mem>>, %arg18: memref<!tpu.dma_semaphore, #tpu.memory_space<semaphore_mem>>, %arg19: memref<!tpu.dma_semaphore, #tpu.memory_space<semaphore_mem>>, %arg20: memref<!tpu.dma_semaphore, #tpu.memory_space<semaphore_mem>>) attributes {dimension_semantics = [#tpu.dimension_semantics<core_parallel>, #tpu.dimension_semantics<subcore_parallel>], iteration_bounds = array<i64: 2, 16>, scalar_prefetch = 0 : i64, scratch_operands = 12 : i64, tpu.core_type = #tpu.core_type<sc_vector_subcore>, window_params = [{transform_indices = #map}, {transform_indices = #map}, {transform_indices = #map1}, {transform_indices = #map1}, {transform_indices = #map}, {transform_indices = #map}, {transform_indices = #map}]} {
    %mul3A = arith.constant 2 : i32
    %mul3A_0 = arith.muli %arg1, %mul3A : i32
    %add3A = arith.addi %mul3A_0, %arg0 : i32
    %mul3A_1 = arith.constant 512 : i32
    %mul3A_2 = arith.muli %add3A, %mul3A_1 : i32
    "tpu.region"() ({
      %run_scoped3A = tpu.sem_alloc : memref<!tpu.dma_semaphore, #tpu.memory_space<semaphore_mem>>
      %dma_start3A_29 = tpu.memref_slice %arg2[%mul3A_2] : memref<16384xi32, #tpu.memory_space<hbm>> -> memref<512xi32, #tpu.memory_space<hbm>>
      %dma_start3A_30 = tpu.memref_slice %arg2[%mul3A_2] : memref<16384xi32, #tpu.memory_space<hbm>> -> memref<512xi32, #tpu.memory_space<hbm>>
      tpu.enqueue_dma source(%dma_start3A_30 : memref<512xi32, #tpu.memory_space<hbm>>) target(%arg9 : memref<512xi32, #tpu.memory_space<vmem>>) target_semaphore(%run_scoped3A : memref<!tpu.dma_semaphore, #tpu.memory_space<semaphore_mem>>)
      %dma_wait3A_31 = tpu.memref_slice %arg2[%mul3A_2] : memref<16384xi32, #tpu.memory_space<hbm>> -> memref<512xi32, #tpu.memory_space<hbm>>
      %dma_wait3A_32 = tpu.memref_slice %arg2[%mul3A_2] : memref<16384xi32, #tpu.memory_space<hbm>> -> memref<512xi32, #tpu.memory_space<hbm>>
      tpu.wait_dma2 semaphore(%run_scoped3A : memref<!tpu.dma_semaphore, #tpu.memory_space<semaphore_mem>>) src(%dma_wait3A_32 : memref<512xi32, #tpu.memory_space<hbm>>) dst(%arg9 : memref<512xi32, #tpu.memory_space<vmem>>)
      tpu.yield
    }) : () -> ()
    %dma_start3A = arith.constant 0 : i32
    %dma_start3A_3 = arith.constant 0 : i32
    %dma_start3A_4 = tpu.memref_slice %arg4[%dma_start3A, %dma_start3A_3] : memref<1000000x64xf32, #tpu.memory_space<hbm>> -> memref<1000000x64xf32, #tpu.memory_space<hbm>>
    tpu.enqueue_indirect_dma source(%dma_start3A_4 : memref<1000000x64xf32, #tpu.memory_space<hbm>>) target(%arg11 : memref<512x64xf32, #tpu.memory_space<vmem>>) offsets(%arg9 : memref<512xi32, #tpu.memory_space<vmem>>) semaphore(%arg17 : memref<!tpu.dma_semaphore, #tpu.memory_space<semaphore_mem>>)
    %dma_start3A_5 = arith.constant 0 : i32
    %dma_start3A_6 = tpu.memref_slice %arg6[%dma_start3A_5] : memref<1000000xf32, #tpu.memory_space<hbm>> -> memref<1000000xf32, #tpu.memory_space<hbm>>
    tpu.enqueue_indirect_dma source(%dma_start3A_6 : memref<1000000xf32, #tpu.memory_space<hbm>>) target(%arg13 : memref<512xf32, #tpu.memory_space<vmem>>) offsets(%arg9 : memref<512xi32, #tpu.memory_space<vmem>>) semaphore(%arg19 : memref<!tpu.dma_semaphore, #tpu.memory_space<semaphore_mem>>)
    "tpu.region"() ({
      %run_scoped3A = tpu.sem_alloc : memref<!tpu.dma_semaphore, #tpu.memory_space<semaphore_mem>>
      %dma_start3A_29 = tpu.memref_slice %arg3[%mul3A_2] : memref<16384xi32, #tpu.memory_space<hbm>> -> memref<512xi32, #tpu.memory_space<hbm>>
      %dma_start3A_30 = tpu.memref_slice %arg3[%mul3A_2] : memref<16384xi32, #tpu.memory_space<hbm>> -> memref<512xi32, #tpu.memory_space<hbm>>
      tpu.enqueue_dma source(%dma_start3A_30 : memref<512xi32, #tpu.memory_space<hbm>>) target(%arg10 : memref<512xi32, #tpu.memory_space<vmem>>) target_semaphore(%run_scoped3A : memref<!tpu.dma_semaphore, #tpu.memory_space<semaphore_mem>>)
      %dma_wait3A_31 = tpu.memref_slice %arg3[%mul3A_2] : memref<16384xi32, #tpu.memory_space<hbm>> -> memref<512xi32, #tpu.memory_space<hbm>>
      %dma_wait3A_32 = tpu.memref_slice %arg3[%mul3A_2] : memref<16384xi32, #tpu.memory_space<hbm>> -> memref<512xi32, #tpu.memory_space<hbm>>
      tpu.wait_dma2 semaphore(%run_scoped3A : memref<!tpu.dma_semaphore, #tpu.memory_space<semaphore_mem>>) src(%dma_wait3A_32 : memref<512xi32, #tpu.memory_space<hbm>>) dst(%arg10 : memref<512xi32, #tpu.memory_space<vmem>>)
      tpu.yield
    }) : () -> ()
    %dma_start3A_7 = arith.constant 0 : i32
    %dma_start3A_8 = arith.constant 0 : i32
    %dma_start3A_9 = tpu.memref_slice %arg5[%dma_start3A_7, %dma_start3A_8] : memref<1000000x64xf32, #tpu.memory_space<hbm>> -> memref<1000000x64xf32, #tpu.memory_space<hbm>>
    tpu.enqueue_indirect_dma source(%dma_start3A_9 : memref<1000000x64xf32, #tpu.memory_space<hbm>>) target(%arg12 : memref<512x64xf32, #tpu.memory_space<vmem>>) offsets(%arg10 : memref<512xi32, #tpu.memory_space<vmem>>) semaphore(%arg18 : memref<!tpu.dma_semaphore, #tpu.memory_space<semaphore_mem>>)
    %dma_start3A_10 = arith.constant 0 : i32
    %dma_start3A_11 = tpu.memref_slice %arg7[%dma_start3A_10] : memref<1000000xf32, #tpu.memory_space<hbm>> -> memref<1000000xf32, #tpu.memory_space<hbm>>
    tpu.enqueue_indirect_dma source(%dma_start3A_11 : memref<1000000xf32, #tpu.memory_space<hbm>>) target(%arg14 : memref<512xf32, #tpu.memory_space<vmem>>) offsets(%arg10 : memref<512xi32, #tpu.memory_space<vmem>>) semaphore(%arg20 : memref<!tpu.dma_semaphore, #tpu.memory_space<semaphore_mem>>)
    %dma_wait3A = arith.constant 0 : i32
    %dma_wait3A_12 = arith.constant 0 : i32
    %dma_wait3A_13 = tpu.memref_slice %arg4[%dma_wait3A, %dma_wait3A_12] : memref<1000000x64xf32, #tpu.memory_space<hbm>> -> memref<1000000x64xf32, #tpu.memory_space<hbm>>
    tpu.wait_indirect_dma semaphore(%arg17 : memref<!tpu.dma_semaphore, #tpu.memory_space<semaphore_mem>>) src(%dma_wait3A_13 : memref<1000000x64xf32, #tpu.memory_space<hbm>>) dst(%arg11 : memref<512x64xf32, #tpu.memory_space<vmem>>)
    %dma_wait3A_14 = arith.constant 0 : i32
    %dma_wait3A_15 = arith.constant 0 : i32
    %dma_wait3A_16 = tpu.memref_slice %arg5[%dma_wait3A_14, %dma_wait3A_15] : memref<1000000x64xf32, #tpu.memory_space<hbm>> -> memref<1000000x64xf32, #tpu.memory_space<hbm>>
    tpu.wait_indirect_dma semaphore(%arg18 : memref<!tpu.dma_semaphore, #tpu.memory_space<semaphore_mem>>) src(%dma_wait3A_16 : memref<1000000x64xf32, #tpu.memory_space<hbm>>) dst(%arg12 : memref<512x64xf32, #tpu.memory_space<vmem>>)
    %dma_wait3A_17 = arith.constant 0 : i32
    %dma_wait3A_18 = tpu.memref_slice %arg6[%dma_wait3A_17] : memref<1000000xf32, #tpu.memory_space<hbm>> -> memref<1000000xf32, #tpu.memory_space<hbm>>
    tpu.wait_indirect_dma semaphore(%arg19 : memref<!tpu.dma_semaphore, #tpu.memory_space<semaphore_mem>>) src(%dma_wait3A_18 : memref<1000000xf32, #tpu.memory_space<hbm>>) dst(%arg13 : memref<512xf32, #tpu.memory_space<vmem>>)
    %dma_wait3A_19 = arith.constant 0 : i32
    %dma_wait3A_20 = tpu.memref_slice %arg7[%dma_wait3A_19] : memref<1000000xf32, #tpu.memory_space<hbm>> -> memref<1000000xf32, #tpu.memory_space<hbm>>
    tpu.wait_indirect_dma semaphore(%arg20 : memref<!tpu.dma_semaphore, #tpu.memory_space<semaphore_mem>>) src(%dma_wait3A_20 : memref<1000000xf32, #tpu.memory_space<hbm>>) dst(%arg14 : memref<512xf32, #tpu.memory_space<vmem>>)
    %iota3A = tpu.iota {dimensions = array<i32: 0>} : vector<16xi32>
    %mul3A_21 = arith.constant 16 : i32
    %mul3A_22 = vector.broadcast %mul3A_21 : i32 to vector<16xi32>
    %mul3A_23 = arith.muli %iota3A, %mul3A_22 : vector<16xi32>
    %scan3A = arith.constant 0 : i32
    %scan3A_24 = arith.constant 0 : i32
    %scan3A_25 = arith.constant 32 : i32
    %scan3A_26 = arith.addi %scan3A_24, %scan3A_25 : i32
    %scan3A_27 = arith.constant 1 : i32
    scf.for %scan3A_29 = %scan3A_24 to %scan3A_26 step %scan3A_27  : i32 {
      %mul3A_30 = arith.constant 16 : i32
      %mul3A_31 = arith.muli %scan3A_29, %mul3A_30 : i32
      %add3A_32 = arith.constant 0 : i32
      %add3A_33 = arith.addi %mul3A_31, %add3A_32 : i32
      %get3A = arith.index_cast %add3A_33 : i32 to index
      %get3A_34 = arith.constant 0 : index
      %get3A_35 = tpu.vector_load %arg11[%get3A, %get3A_34] {strides = array<i32>} : memref<512x64xf32, #tpu.memory_space<vmem>>, vector<16xf32>,
      %get3A_36 = arith.index_cast %add3A_33 : i32 to index
      %get3A_37 = arith.constant 0 : index
      %get3A_38 = tpu.vector_load %arg12[%get3A_36, %get3A_37] {strides = array<i32>} : memref<512x64xf32, #tpu.memory_space<vmem>>, vector<16xf32>,
      %mul3A_39 = arith.mulf %get3A_35, %get3A_38 : vector<16xf32>
      %get3A_40 = arith.index_cast %add3A_33 : i32 to index
      %get3A_41 = arith.constant 16 : index
      %get3A_42 = tpu.vector_load %arg11[%get3A_40, %get3A_41] {strides = array<i32>} : memref<512x64xf32, #tpu.memory_space<vmem>>, vector<16xf32>,
      %get3A_43 = arith.index_cast %add3A_33 : i32 to index
      %get3A_44 = arith.constant 16 : index
      %get3A_45 = tpu.vector_load %arg12[%get3A_43, %get3A_44] {strides = array<i32>} : memref<512x64xf32, #tpu.memory_space<vmem>>, vector<16xf32>,
      %mul3A_46 = arith.mulf %get3A_42, %get3A_45 : vector<16xf32>
      %add3A_47 = arith.addf %mul3A_39, %mul3A_46 : vector<16xf32>
      %get3A_48 = arith.index_cast %add3A_33 : i32 to index
      %get3A_49 = arith.constant 32 : index
      %get3A_50 = tpu.vector_load %arg11[%get3A_48, %get3A_49] {strides = array<i32>} : memref<512x64xf32, #tpu.memory_space<vmem>>, vector<16xf32>,
      %get3A_51 = arith.index_cast %add3A_33 : i32 to index
      %get3A_52 = arith.constant 32 : index
      %get3A_53 = tpu.vector_load %arg12[%get3A_51, %get3A_52] {strides = array<i32>} : memref<512x64xf32, #tpu.memory_space<vmem>>, vector<16xf32>,
      %mul3A_54 = arith.mulf %get3A_50, %get3A_53 : vector<16xf32>
      %add3A_55 = arith.addf %add3A_47, %mul3A_54 : vector<16xf32>
      %get3A_56 = arith.index_cast %add3A_33 : i32 to index
      %get3A_57 = arith.constant 48 : index
      %get3A_58 = tpu.vector_load %arg11[%get3A_56, %get3A_57] {strides = array<i32>} : memref<512x64xf32, #tpu.memory_space<vmem>>, vector<16xf32>,
      %get3A_59 = arith.index_cast %add3A_33 : i32 to index
      %get3A_60 = arith.constant 48 : index
      %get3A_61 = tpu.vector_load %arg12[%get3A_59, %get3A_60] {strides = array<i32>} : memref<512x64xf32, #tpu.memory_space<vmem>>, vector<16xf32>,
      %mul3A_62 = arith.mulf %get3A_58, %get3A_61 : vector<16xf32>
      %add3A_63 = arith.addf %add3A_55, %mul3A_62 : vector<16xf32>
      %add3A_64 = arith.constant 0 : i32
      %add3A_65 = vector.broadcast %add3A_64 : i32 to vector<16xi32>
      %add3A_66 = arith.addi %mul3A_23, %add3A_65 : vector<16xi32>
      tpu.vector_store_idx %arg16[%add3A_66], %add3A_63 : memref<256xf32, #tpu.memory_space<vmem>>[vector<16xi32>], vector<16xf32>,
      %add3A_67 = arith.constant 1 : i32
      %add3A_68 = arith.addi %mul3A_31, %add3A_67 : i32
      %get3A_69 = arith.index_cast %add3A_68 : i32 to index
      %get3A_70 = arith.constant 0 : index
      %get3A_71 = tpu.vector_load %arg11[%get3A_69, %get3A_70] {strides = array<i32>} : memref<512x64xf32, #tpu.memory_space<vmem>>, vector<16xf32>,
      %get3A_72 = arith.index_cast %add3A_68 : i32 to index
      %get3A_73 = arith.constant 0 : index
      %get3A_74 = tpu.vector_load %arg12[%get3A_72, %get3A_73] {strides = array<i32>} : memref<512x64xf32, #tpu.memory_space<vmem>>, vector<16xf32>,
      %mul3A_75 = arith.mulf %get3A_71, %get3A_74 : vector<16xf32>
      %get3A_76 = arith.index_cast %add3A_68 : i32 to index
      %get3A_77 = arith.constant 16 : index
      %get3A_78 = tpu.vector_load %arg11[%get3A_76, %get3A_77] {strides = array<i32>} : memref<512x64xf32, #tpu.memory_space<vmem>>, vector<16xf32>,
      %get3A_79 = arith.index_cast %add3A_68 : i32 to index
      %get3A_80 = arith.constant 16 : index
      %get3A_81 = tpu.vector_load %arg12[%get3A_79, %get3A_80] {strides = array<i32>} : memref<512x64xf32, #tpu.memory_space<vmem>>, vector<16xf32>,
      %mul3A_82 = arith.mulf %get3A_78, %get3A_81 : vector<16xf32>
      %add3A_83 = arith.addf %mul3A_75, %mul3A_82 : vector<16xf32>
      %get3A_84 = arith.index_cast %add3A_68 : i32 to index
      %get3A_85 = arith.constant 32 : index
      %get3A_86 = tpu.vector_load %arg11[%get3A_84, %get3A_85] {strides = array<i32>} : memref<512x64xf32, #tpu.memory_space<vmem>>, vector<16xf32>,
      %get3A_87 = arith.index_cast %add3A_68 : i32 to index
      %get3A_88 = arith.constant 32 : index
      %get3A_89 = tpu.vector_load %arg12[%get3A_87, %get3A_88] {strides = array<i32>} : memref<512x64xf32, #tpu.memory_space<vmem>>, vector<16xf32>,
      %mul3A_90 = arith.mulf %get3A_86, %get3A_89 : vector<16xf32>
      %add3A_91 = arith.addf %add3A_83, %mul3A_90 : vector<16xf32>
      %get3A_92 = arith.index_cast %add3A_68 : i32 to index
      %get3A_93 = arith.constant 48 : index
      %get3A_94 = tpu.vector_load %arg11[%get3A_92, %get3A_93] {strides = array<i32>} : memref<512x64xf32, #tpu.memory_space<vmem>>, vector<16xf32>,
      %get3A_95 = arith.index_cast %add3A_68 : i32 to index
      %get3A_96 = arith.constant 48 : index
      %get3A_97 = tpu.vector_load %arg12[%get3A_95, %get3A_96] {strides = array<i32>} : memref<512x64xf32, #tpu.memory_space<vmem>>, vector<16xf32>,
      %mul3A_98 = arith.mulf %get3A_94, %get3A_97 : vector<16xf32>
      %add3A_99 = arith.addf %add3A_91, %mul3A_98 : vector<16xf32>
      %add3A_100 = arith.constant 1 : i32
      %add3A_101 = vector.broadcast %add3A_100 : i32 to vector<16xi32>
      %add3A_102 = arith.addi %mul3A_23, %add3A_101 : vector<16xi32>
      tpu.vector_store_idx %arg16[%add3A_102], %add3A_99 : memref<256xf32, #tpu.memory_space<vmem>>[vector<16xi32>], vector<16xf32>,
      %add3A_103 = arith.constant 2 : i32
      %add3A_104 = arith.addi %mul3A_31, %add3A_103 : i32
      %get3A_105 = arith.index_cast %add3A_104 : i32 to index
      %get3A_106 = arith.constant 0 : index
      %get3A_107 = tpu.vector_load %arg11[%get3A_105, %get3A_106] {strides = array<i32>} : memref<512x64xf32, #tpu.memory_space<vmem>>, vector<16xf32>,
      %get3A_108 = arith.index_cast %add3A_104 : i32 to index
      %get3A_109 = arith.constant 0 : index
      %get3A_110 = tpu.vector_load %arg12[%get3A_108, %get3A_109] {strides = array<i32>} : memref<512x64xf32, #tpu.memory_space<vmem>>, vector<16xf32>,
      %mul3A_111 = arith.mulf %get3A_107, %get3A_110 : vector<16xf32>
      %get3A_112 = arith.index_cast %add3A_104 : i32 to index
      %get3A_113 = arith.constant 16 : index
      %get3A_114 = tpu.vector_load %arg11[%get3A_112, %get3A_113] {strides = array<i32>} : memref<512x64xf32, #tpu.memory_space<vmem>>, vector<16xf32>,
      %get3A_115 = arith.index_cast %add3A_104 : i32 to index
      %get3A_116 = arith.constant 16 : index
      %get3A_117 = tpu.vector_load %arg12[%get3A_115, %get3A_116] {strides = array<i32>} : memref<512x64xf32, #tpu.memory_space<vmem>>, vector<16xf32>,
      %mul3A_118 = arith.mulf %get3A_114, %get3A_117 : vector<16xf32>
      %add3A_119 = arith.addf %mul3A_111, %mul3A_118 : vector<16xf32>
      %get3A_120 = arith.index_cast %add3A_104 : i32 to index
      %get3A_121 = arith.constant 32 : index
      %get3A_122 = tpu.vector_load %arg11[%get3A_120, %get3A_121] {strides = array<i32>} : memref<512x64xf32, #tpu.memory_space<vmem>>, vector<16xf32>,
      %get3A_123 = arith.index_cast %add3A_104 : i32 to index
      %get3A_124 = arith.constant 32 : index
      %get3A_125 = tpu.vector_load %arg12[%get3A_123, %get3A_124] {strides = array<i32>} : memref<512x64xf32, #tpu.memory_space<vmem>>, vector<16xf32>,
      %mul3A_126 = arith.mulf %get3A_122, %get3A_125 : vector<16xf32>
      %add3A_127 = arith.addf %add3A_119, %mul3A_126 : vector<16xf32>
      %get3A_128 = arith.index_cast %add3A_104 : i32 to index
      %get3A_129 = arith.constant 48 : index
      %get3A_130 = tpu.vector_load %arg11[%get3A_128, %get3A_129] {strides = array<i32>} : memref<512x64xf32, #tpu.memory_space<vmem>>, vector<16xf32>,
      %get3A_131 = arith.index_cast %add3A_104 : i32 to index
      %get3A_132 = arith.constant 48 : index
      %get3A_133 = tpu.vector_load %arg12[%get3A_131, %get3A_132] {strides = array<i32>} : memref<512x64xf32, #tpu.memory_space<vmem>>, vector<16xf32>,
      %mul3A_134 = arith.mulf %get3A_130, %get3A_133 : vector<16xf32>
      %add3A_135 = arith.addf %add3A_127, %mul3A_134 : vector<16xf32>
      %add3A_136 = arith.constant 2 : i32
      %add3A_137 = vector.broadcast %add3A_136 : i32 to vector<16xi32>
      %add3A_138 = arith.addi %mul3A_23, %add3A_137 : vector<16xi32>
      tpu.vector_store_idx %arg16[%add3A_138], %add3A_135 : memref<256xf32, #tpu.memory_space<vmem>>[vector<16xi32>], vector<16xf32>,
      %add3A_139 = arith.constant 3 : i32
      %add3A_140 = arith.addi %mul3A_31, %add3A_139 : i32
      %get3A_141 = arith.index_cast %add3A_140 : i32 to index
      %get3A_142 = arith.constant 0 : index
      %get3A_143 = tpu.vector_load %arg11[%get3A_141, %get3A_142] {strides = array<i32>} : memref<512x64xf32, #tpu.memory_space<vmem>>, vector<16xf32>,
      %get3A_144 = arith.index_cast %add3A_140 : i32 to index
      %get3A_145 = arith.constant 0 : index
      %get3A_146 = tpu.vector_load %arg12[%get3A_144, %get3A_145] {strides = array<i32>} : memref<512x64xf32, #tpu.memory_space<vmem>>, vector<16xf32>,
      %mul3A_147 = arith.mulf %get3A_143, %get3A_146 : vector<16xf32>
      %get3A_148 = arith.index_cast %add3A_140 : i32 to index
      %get3A_149 = arith.constant 16 : index
      %get3A_150 = tpu.vector_load %arg11[%get3A_148, %get3A_149] {strides = array<i32>} : memref<512x64xf32, #tpu.memory_space<vmem>>, vector<16xf32>,
      %get3A_151 = arith.index_cast %add3A_140 : i32 to index
      %get3A_152 = arith.constant 16 : index
      %get3A_153 = tpu.vector_load %arg12[%get3A_151, %get3A_152] {strides = array<i32>} : memref<512x64xf32, #tpu.memory_space<vmem>>, vector<16xf32>,
      %mul3A_154 = arith.mulf %get3A_150, %get3A_153 : vector<16xf32>
      %add3A_155 = arith.addf %mul3A_147, %mul3A_154 : vector<16xf32>
      %get3A_156 = arith.index_cast %add3A_140 : i32 to index
      %get3A_157 = arith.constant 32 : index
      %get3A_158 = tpu.vector_load %arg11[%get3A_156, %get3A_157] {strides = array<i32>} : memref<512x64xf32, #tpu.memory_space<vmem>>, vector<16xf32>,
      %get3A_159 = arith.index_cast %add3A_140 : i32 to index
      %get3A_160 = arith.constant 32 : index
      %get3A_161 = tpu.vector_load %arg12[%get3A_159, %get3A_160] {strides = array<i32>} : memref<512x64xf32, #tpu.memory_space<vmem>>, vector<16xf32>,
      %mul3A_162 = arith.mulf %get3A_158, %get3A_161 : vector<16xf32>
      %add3A_163 = arith.addf %add3A_155, %mul3A_162 : vector<16xf32>
      %get3A_164 = arith.index_cast %add3A_140 : i32 to index
      %get3A_165 = arith.constant 48 : index
      %get3A_166 = tpu.vector_load %arg11[%get3A_164, %get3A_165] {strides = array<i32>} : memref<512x64xf32, #tpu.memory_space<vmem>>, vector<16xf32>,
      %get3A_167 = arith.index_cast %add3A_140 : i32 to index
      %get3A_168 = arith.constant 48 : index
      %get3A_169 = tpu.vector_load %arg12[%get3A_167, %get3A_168] {strides = array<i32>} : memref<512x64xf32, #tpu.memory_space<vmem>>, vector<16xf32>,
      %mul3A_170 = arith.mulf %get3A_166, %get3A_169 : vector<16xf32>
      %add3A_171 = arith.addf %add3A_163, %mul3A_170 : vector<16xf32>
      %add3A_172 = arith.constant 3 : i32
      %add3A_173 = vector.broadcast %add3A_172 : i32 to vector<16xi32>
      %add3A_174 = arith.addi %mul3A_23, %add3A_173 : vector<16xi32>
      tpu.vector_store_idx %arg16[%add3A_174], %add3A_171 : memref<256xf32, #tpu.memory_space<vmem>>[vector<16xi32>], vector<16xf32>,
      %add3A_175 = arith.constant 4 : i32
      %add3A_176 = arith.addi %mul3A_31, %add3A_175 : i32
      %get3A_177 = arith.index_cast %add3A_176 : i32 to index
      %get3A_178 = arith.constant 0 : index
      %get3A_179 = tpu.vector_load %arg11[%get3A_177, %get3A_178] {strides = array<i32>} : memref<512x64xf32, #tpu.memory_space<vmem>>, vector<16xf32>,
      %get3A_180 = arith.index_cast %add3A_176 : i32 to index
      %get3A_181 = arith.constant 0 : index
      %get3A_182 = tpu.vector_load %arg12[%get3A_180, %get3A_181] {strides = array<i32>} : memref<512x64xf32, #tpu.memory_space<vmem>>, vector<16xf32>,
      %mul3A_183 = arith.mulf %get3A_179, %get3A_182 : vector<16xf32>
      %get3A_184 = arith.index_cast %add3A_176 : i32 to index
      %get3A_185 = arith.constant 16 : index
      %get3A_186 = tpu.vector_load %arg11[%get3A_184, %get3A_185] {strides = array<i32>} : memref<512x64xf32, #tpu.memory_space<vmem>>, vector<16xf32>,
      %get3A_187 = arith.index_cast %add3A_176 : i32 to index
      %get3A_188 = arith.constant 16 : index
      %get3A_189 = tpu.vector_load %arg12[%get3A_187, %get3A_188] {strides = array<i32>} : memref<512x64xf32, #tpu.memory_space<vmem>>, vector<16xf32>,
      %mul3A_190 = arith.mulf %get3A_186, %get3A_189 : vector<16xf32>
      %add3A_191 = arith.addf %mul3A_183, %mul3A_190 : vector<16xf32>
      %get3A_192 = arith.index_cast %add3A_176 : i32 to index
      %get3A_193 = arith.constant 32 : index
      %get3A_194 = tpu.vector_load %arg11[%get3A_192, %get3A_193] {strides = array<i32>} : memref<512x64xf32, #tpu.memory_space<vmem>>, vector<16xf32>,
      %get3A_195 = arith.index_cast %add3A_176 : i32 to index
      %get3A_196 = arith.constant 32 : index
      %get3A_197 = tpu.vector_load %arg12[%get3A_195, %get3A_196] {strides = array<i32>} : memref<512x64xf32, #tpu.memory_space<vmem>>, vector<16xf32>,
      %mul3A_198 = arith.mulf %get3A_194, %get3A_197 : vector<16xf32>
      %add3A_199 = arith.addf %add3A_191, %mul3A_198 : vector<16xf32>
      %get3A_200 = arith.index_cast %add3A_176 : i32 to index
      %get3A_201 = arith.constant 48 : index
      %get3A_202 = tpu.vector_load %arg11[%get3A_200, %get3A_201] {strides = array<i32>} : memref<512x64xf32, #tpu.memory_space<vmem>>, vector<16xf32>,
      %get3A_203 = arith.index_cast %add3A_176 : i32 to index
      %get3A_204 = arith.constant 48 : index
      %get3A_205 = tpu.vector_load %arg12[%get3A_203, %get3A_204] {strides = array<i32>} : memref<512x64xf32, #tpu.memory_space<vmem>>, vector<16xf32>,
      %mul3A_206 = arith.mulf %get3A_202, %get3A_205 : vector<16xf32>
      %add3A_207 = arith.addf %add3A_199, %mul3A_206 : vector<16xf32>
      %add3A_208 = arith.constant 4 : i32
      %add3A_209 = vector.broadcast %add3A_208 : i32 to vector<16xi32>
      %add3A_210 = arith.addi %mul3A_23, %add3A_209 : vector<16xi32>
      tpu.vector_store_idx %arg16[%add3A_210], %add3A_207 : memref<256xf32, #tpu.memory_space<vmem>>[vector<16xi32>], vector<16xf32>,
      %add3A_211 = arith.constant 5 : i32
      %add3A_212 = arith.addi %mul3A_31, %add3A_211 : i32
      %get3A_213 = arith.index_cast %add3A_212 : i32 to index
      %get3A_214 = arith.constant 0 : index
      %get3A_215 = tpu.vector_load %arg11[%get3A_213, %get3A_214] {strides = array<i32>} : memref<512x64xf32, #tpu.memory_space<vmem>>, vector<16xf32>,
      %get3A_216 = arith.index_cast %add3A_212 : i32 to index
      %get3A_217 = arith.constant 0 : index
      %get3A_218 = tpu.vector_load %arg12[%get3A_216, %get3A_217] {strides = array<i32>} : memref<512x64xf32, #tpu.memory_space<vmem>>, vector<16xf32>,
      %mul3A_219 = arith.mulf %get3A_215, %get3A_218 : vector<16xf32>
      %get3A_220 = arith.index_cast %add3A_212 : i32 to index
      %get3A_221 = arith.constant 16 : index
      %get3A_222 = tpu.vector_load %arg11[%get3A_220, %get3A_221] {strides = array<i32>} : memref<512x64xf32, #tpu.memory_space<vmem>>, vector<16xf32>,
      %get3A_223 = arith.index_cast %add3A_212 : i32 to index
      %get3A_224 = arith.constant 16 : index
      %get3A_225 = tpu.vector_load %arg12[%get3A_223, %get3A_224] {strides = array<i32>} : memref<512x64xf32, #tpu.memory_space<vmem>>, vector<16xf32>,
      %mul3A_226 = arith.mulf %get3A_222, %get3A_225 : vector<16xf32>
      %add3A_227 = arith.addf %mul3A_219, %mul3A_226 : vector<16xf32>
      %get3A_228 = arith.index_cast %add3A_212 : i32 to index
      %get3A_229 = arith.constant 32 : index
      %get3A_230 = tpu.vector_load %arg11[%get3A_228, %get3A_229] {strides = array<i32>} : memref<512x64xf32, #tpu.memory_space<vmem>>, vector<16xf32>,
      %get3A_231 = arith.index_cast %add3A_212 : i32 to index
      %get3A_232 = arith.constant 32 : index
      %get3A_233 = tpu.vector_load %arg12[%get3A_231, %get3A_232] {strides = array<i32>} : memref<512x64xf32, #tpu.memory_space<vmem>>, vector<16xf32>,
      %mul3A_234 = arith.mulf %get3A_230, %get3A_233 : vector<16xf32>
      %add3A_235 = arith.addf %add3A_227, %mul3A_234 : vector<16xf32>
      %get3A_236 = arith.index_cast %add3A_212 : i32 to index
      %get3A_237 = arith.constant 48 : index
      %get3A_238 = tpu.vector_load %arg11[%get3A_236, %get3A_237] {strides = array<i32>} : memref<512x64xf32, #tpu.memory_space<vmem>>, vector<16xf32>,
      %get3A_239 = arith.index_cast %add3A_212 : i32 to index
      %get3A_240 = arith.constant 48 : index
      %get3A_241 = tpu.vector_load %arg12[%get3A_239, %get3A_240] {strides = array<i32>} : memref<512x64xf32, #tpu.memory_space<vmem>>, vector<16xf32>,
      %mul3A_242 = arith.mulf %get3A_238, %get3A_241 : vector<16xf32>
      %add3A_243 = arith.addf %add3A_235, %mul3A_242 : vector<16xf32>
      %add3A_244 = arith.constant 5 : i32
      %add3A_245 = vector.broadcast %add3A_244 : i32 to vector<16xi32>
      %add3A_246 = arith.addi %mul3A_23, %add3A_245 : vector<16xi32>
      tpu.vector_store_idx %arg16[%add3A_246], %add3A_243 : memref<256xf32, #tpu.memory_space<vmem>>[vector<16xi32>], vector<16xf32>,
      %add3A_247 = arith.constant 6 : i32
      %add3A_248 = arith.addi %mul3A_31, %add3A_247 : i32
      %get3A_249 = arith.index_cast %add3A_248 : i32 to index
      %get3A_250 = arith.constant 0 : index
      %get3A_251 = tpu.vector_load %arg11[%get3A_249, %get3A_250] {strides = array<i32>} : memref<512x64xf32, #tpu.memory_space<vmem>>, vector<16xf32>,
      %get3A_252 = arith.index_cast %add3A_248 : i32 to index
      %get3A_253 = arith.constant 0 : index
      %get3A_254 = tpu.vector_load %arg12[%get3A_252, %get3A_253] {strides = array<i32>} : memref<512x64xf32, #tpu.memory_space<vmem>>, vector<16xf32>,
      %mul3A_255 = arith.mulf %get3A_251, %get3A_254 : vector<16xf32>
      %get3A_256 = arith.index_cast %add3A_248 : i32 to index
      %get3A_257 = arith.constant 16 : index
      %get3A_258 = tpu.vector_load %arg11[%get3A_256, %get3A_257] {strides = array<i32>} : memref<512x64xf32, #tpu.memory_space<vmem>>, vector<16xf32>,
      %get3A_259 = arith.index_cast %add3A_248 : i32 to index
      %get3A_260 = arith.constant 16 : index
      %get3A_261 = tpu.vector_load %arg12[%get3A_259, %get3A_260] {strides = array<i32>} : memref<512x64xf32, #tpu.memory_space<vmem>>, vector<16xf32>,
      %mul3A_262 = arith.mulf %get3A_258, %get3A_261 : vector<16xf32>
      %add3A_263 = arith.addf %mul3A_255, %mul3A_262 : vector<16xf32>
      %get3A_264 = arith.index_cast %add3A_248 : i32 to index
      %get3A_265 = arith.constant 32 : index
      %get3A_266 = tpu.vector_load %arg11[%get3A_264, %get3A_265] {strides = array<i32>} : memref<512x64xf32, #tpu.memory_space<vmem>>, vector<16xf32>,
      %get3A_267 = arith.index_cast %add3A_248 : i32 to index
      %get3A_268 = arith.constant 32 : index
      %get3A_269 = tpu.vector_load %arg12[%get3A_267, %get3A_268] {strides = array<i32>} : memref<512x64xf32, #tpu.memory_space<vmem>>, vector<16xf32>,
      %mul3A_270 = arith.mulf %get3A_266, %get3A_269 : vector<16xf32>
      %add3A_271 = arith.addf %add3A_263, %mul3A_270 : vector<16xf32>
      %get3A_272 = arith.index_cast %add3A_248 : i32 to index
      %get3A_273 = arith.constant 48 : index
      %get3A_274 = tpu.vector_load %arg11[%get3A_272, %get3A_273] {strides = array<i32>} : memref<512x64xf32, #tpu.memory_space<vmem>>, vector<16xf32>,
      %get3A_275 = arith.index_cast %add3A_248 : i32 to index
      %get3A_276 = arith.constant 48 : index
      %get3A_277 = tpu.vector_load %arg12[%get3A_275, %get3A_276] {strides = array<i32>} : memref<512x64xf32, #tpu.memory_space<vmem>>, vector<16xf32>,
      %mul3A_278 = arith.mulf %get3A_274, %get3A_277 : vector<16xf32>
      %add3A_279 = arith.addf %add3A_271, %mul3A_278 : vector<16xf32>
      %add3A_280 = arith.constant 6 : i32
      %add3A_281 = vector.broadcast %add3A_280 : i32 to vector<16xi32>
      %add3A_282 = arith.addi %mul3A_23, %add3A_281 : vector<16xi32>
      tpu.vector_store_idx %arg16[%add3A_282], %add3A_279 : memref<256xf32, #tpu.memory_space<vmem>>[vector<16xi32>], vector<16xf32>,
      %add3A_283 = arith.constant 7 : i32
      %add3A_284 = arith.addi %mul3A_31, %add3A_283 : i32
      %get3A_285 = arith.index_cast %add3A_284 : i32 to index
      %get3A_286 = arith.constant 0 : index
      %get3A_287 = tpu.vector_load %arg11[%get3A_285, %get3A_286] {strides = array<i32>} : memref<512x64xf32, #tpu.memory_space<vmem>>, vector<16xf32>,
      %get3A_288 = arith.index_cast %add3A_284 : i32 to index
      %get3A_289 = arith.constant 0 : index
      %get3A_290 = tpu.vector_load %arg12[%get3A_288, %get3A_289] {strides = array<i32>} : memref<512x64xf32, #tpu.memory_space<vmem>>, vector<16xf32>,
      %mul3A_291 = arith.mulf %get3A_287, %get3A_290 : vector<16xf32>
      %get3A_292 = arith.index_cast %add3A_284 : i32 to index
      %get3A_293 = arith.constant 16 : index
      %get3A_294 = tpu.vector_load %arg11[%get3A_292, %get3A_293] {strides = array<i32>} : memref<512x64xf32, #tpu.memory_space<vmem>>, vector<16xf32>,
      %get3A_295 = arith.index_cast %add3A_284 : i32 to index
      %get3A_296 = arith.constant 16 : index
      %get3A_297 = tpu.vector_load %arg12[%get3A_295, %get3A_296] {strides = array<i32>} : memref<512x64xf32, #tpu.memory_space<vmem>>, vector<16xf32>,
      %mul3A_298 = arith.mulf %get3A_294, %get3A_297 : vector<16xf32>
      %add3A_299 = arith.addf %mul3A_291, %mul3A_298 : vector<16xf32>
      %get3A_300 = arith.index_cast %add3A_284 : i32 to index
      %get3A_301 = arith.constant 32 : index
      %get3A_302 = tpu.vector_load %arg11[%get3A_300, %get3A_301] {strides = array<i32>} : memref<512x64xf32, #tpu.memory_space<vmem>>, vector<16xf32>,
      %get3A_303 = arith.index_cast %add3A_284 : i32 to index
      %get3A_304 = arith.constant 32 : index
      %get3A_305 = tpu.vector_load %arg12[%get3A_303, %get3A_304] {strides = array<i32>} : memref<512x64xf32, #tpu.memory_space<vmem>>, vector<16xf32>,
      %mul3A_306 = arith.mulf %get3A_302, %get3A_305 : vector<16xf32>
      %add3A_307 = arith.addf %add3A_299, %mul3A_306 : vector<16xf32>
      %get3A_308 = arith.index_cast %add3A_284 : i32 to index
      %get3A_309 = arith.constant 48 : index
      %get3A_310 = tpu.vector_load %arg11[%get3A_308, %get3A_309] {strides = array<i32>} : memref<512x64xf32, #tpu.memory_space<vmem>>, vector<16xf32>,
      %get3A_311 = arith.index_cast %add3A_284 : i32 to index
      %get3A_312 = arith.constant 48 : index
      %get3A_313 = tpu.vector_load %arg12[%get3A_311, %get3A_312] {strides = array<i32>} : memref<512x64xf32, #tpu.memory_space<vmem>>, vector<16xf32>,
      %mul3A_314 = arith.mulf %get3A_310, %get3A_313 : vector<16xf32>
      %add3A_315 = arith.addf %add3A_307, %mul3A_314 : vector<16xf32>
      %add3A_316 = arith.constant 7 : i32
      %add3A_317 = vector.broadcast %add3A_316 : i32 to vector<16xi32>
      %add3A_318 = arith.addi %mul3A_23, %add3A_317 : vector<16xi32>
      tpu.vector_store_idx %arg16[%add3A_318], %add3A_315 : memref<256xf32, #tpu.memory_space<vmem>>[vector<16xi32>], vector<16xf32>,
      %add3A_319 = arith.constant 8 : i32
      %add3A_320 = arith.addi %mul3A_31, %add3A_319 : i32
      %get3A_321 = arith.index_cast %add3A_320 : i32 to index
      %get3A_322 = arith.constant 0 : index
      %get3A_323 = tpu.vector_load %arg11[%get3A_321, %get3A_322] {strides = array<i32>} : memref<512x64xf32, #tpu.memory_space<vmem>>, vector<16xf32>,
      %get3A_324 = arith.index_cast %add3A_320 : i32 to index
      %get3A_325 = arith.constant 0 : index
      %get3A_326 = tpu.vector_load %arg12[%get3A_324, %get3A_325] {strides = array<i32>} : memref<512x64xf32, #tpu.memory_space<vmem>>, vector<16xf32>,
      %mul3A_327 = arith.mulf %get3A_323, %get3A_326 : vector<16xf32>
      %get3A_328 = arith.index_cast %add3A_320 : i32 to index
      %get3A_329 = arith.constant 16 : index
      %get3A_330 = tpu.vector_load %arg11[%get3A_328, %get3A_329] {strides = array<i32>} : memref<512x64xf32, #tpu.memory_space<vmem>>, vector<16xf32>,
      %get3A_331 = arith.index_cast %add3A_320 : i32 to index
      %get3A_332 = arith.constant 16 : index
      %get3A_333 = tpu.vector_load %arg12[%get3A_331, %get3A_332] {strides = array<i32>} : memref<512x64xf32, #tpu.memory_space<vmem>>, vector<16xf32>,
      %mul3A_334 = arith.mulf %get3A_330, %get3A_333 : vector<16xf32>
      %add3A_335 = arith.addf %mul3A_327, %mul3A_334 : vector<16xf32>
      %get3A_336 = arith.index_cast %add3A_320 : i32 to index
      %get3A_337 = arith.constant 32 : index
      %get3A_338 = tpu.vector_load %arg11[%get3A_336, %get3A_337] {strides = array<i32>} : memref<512x64xf32, #tpu.memory_space<vmem>>, vector<16xf32>,
      %get3A_339 = arith.index_cast %add3A_320 : i32 to index
      %get3A_340 = arith.constant 32 : index
      %get3A_341 = tpu.vector_load %arg12[%get3A_339, %get3A_340] {strides = array<i32>} : memref<512x64xf32, #tpu.memory_space<vmem>>, vector<16xf32>,
      %mul3A_342 = arith.mulf %get3A_338, %get3A_341 : vector<16xf32>
      %add3A_343 = arith.addf %add3A_335, %mul3A_342 : vector<16xf32>
      %get3A_344 = arith.index_cast %add3A_320 : i32 to index
      %get3A_345 = arith.constant 48 : index
      %get3A_346 = tpu.vector_load %arg11[%get3A_344, %get3A_345] {strides = array<i32>} : memref<512x64xf32, #tpu.memory_space<vmem>>, vector<16xf32>,
      %get3A_347 = arith.index_cast %add3A_320 : i32 to index
      %get3A_348 = arith.constant 48 : index
      %get3A_349 = tpu.vector_load %arg12[%get3A_347, %get3A_348] {strides = array<i32>} : memref<512x64xf32, #tpu.memory_space<vmem>>, vector<16xf32>,
      %mul3A_350 = arith.mulf %get3A_346, %get3A_349 : vector<16xf32>
      %add3A_351 = arith.addf %add3A_343, %mul3A_350 : vector<16xf32>
      %add3A_352 = arith.constant 8 : i32
      %add3A_353 = vector.broadcast %add3A_352 : i32 to vector<16xi32>
      %add3A_354 = arith.addi %mul3A_23, %add3A_353 : vector<16xi32>
      tpu.vector_store_idx %arg16[%add3A_354], %add3A_351 : memref<256xf32, #tpu.memory_space<vmem>>[vector<16xi32>], vector<16xf32>,
      %add3A_355 = arith.constant 9 : i32
      %add3A_356 = arith.addi %mul3A_31, %add3A_355 : i32
      %get3A_357 = arith.index_cast %add3A_356 : i32 to index
      %get3A_358 = arith.constant 0 : index
      %get3A_359 = tpu.vector_load %arg11[%get3A_357, %get3A_358] {strides = array<i32>} : memref<512x64xf32, #tpu.memory_space<vmem>>, vector<16xf32>,
      %get3A_360 = arith.index_cast %add3A_356 : i32 to index
      %get3A_361 = arith.constant 0 : index
      %get3A_362 = tpu.vector_load %arg12[%get3A_360, %get3A_361] {strides = array<i32>} : memref<512x64xf32, #tpu.memory_space<vmem>>, vector<16xf32>,
      %mul3A_363 = arith.mulf %get3A_359, %get3A_362 : vector<16xf32>
      %get3A_364 = arith.index_cast %add3A_356 : i32 to index
      %get3A_365 = arith.constant 16 : index
      %get3A_366 = tpu.vector_load %arg11[%get3A_364, %get3A_365] {strides = array<i32>} : memref<512x64xf32, #tpu.memory_space<vmem>>, vector<16xf32>,
      %get3A_367 = arith.index_cast %add3A_356 : i32 to index
      %get3A_368 = arith.constant 16 : index
      %get3A_369 = tpu.vector_load %arg12[%get3A_367, %get3A_368] {strides = array<i32>} : memref<512x64xf32, #tpu.memory_space<vmem>>, vector<16xf32>,
      %mul3A_370 = arith.mulf %get3A_366, %get3A_369 : vector<16xf32>
      %add3A_371 = arith.addf %mul3A_363, %mul3A_370 : vector<16xf32>
      %get3A_372 = arith.index_cast %add3A_356 : i32 to index
      %get3A_373 = arith.constant 32 : index
      %get3A_374 = tpu.vector_load %arg11[%get3A_372, %get3A_373] {strides = array<i32>} : memref<512x64xf32, #tpu.memory_space<vmem>>, vector<16xf32>,
      %get3A_375 = arith.index_cast %add3A_356 : i32 to index
      %get3A_376 = arith.constant 32 : index
      %get3A_377 = tpu.vector_load %arg12[%get3A_375, %get3A_376] {strides = array<i32>} : memref<512x64xf32, #tpu.memory_space<vmem>>, vector<16xf32>,
      %mul3A_378 = arith.mulf %get3A_374, %get3A_377 : vector<16xf32>
      %add3A_379 = arith.addf %add3A_371, %mul3A_378 : vector<16xf32>
      %get3A_380 = arith.index_cast %add3A_356 : i32 to index
      %get3A_381 = arith.constant 48 : index
      %get3A_382 = tpu.vector_load %arg11[%get3A_380, %get3A_381] {strides = array<i32>} : memref<512x64xf32, #tpu.memory_space<vmem>>, vector<16xf32>,
      %get3A_383 = arith.index_cast %add3A_356 : i32 to index
      %get3A_384 = arith.constant 48 : index
      %get3A_385 = tpu.vector_load %arg12[%get3A_383, %get3A_384] {strides = array<i32>} : memref<512x64xf32, #tpu.memory_space<vmem>>, vector<16xf32>,
      %mul3A_386 = arith.mulf %get3A_382, %get3A_385 : vector<16xf32>
      %add3A_387 = arith.addf %add3A_379, %mul3A_386 : vector<16xf32>
      %add3A_388 = arith.constant 9 : i32
      %add3A_389 = vector.broadcast %add3A_388 : i32 to vector<16xi32>
      %add3A_390 = arith.addi %mul3A_23, %add3A_389 : vector<16xi32>
      tpu.vector_store_idx %arg16[%add3A_390], %add3A_387 : memref<256xf32, #tpu.memory_space<vmem>>[vector<16xi32>], vector<16xf32>,
      %add3A_391 = arith.constant 10 : i32
      %add3A_392 = arith.addi %mul3A_31, %add3A_391 : i32
      %get3A_393 = arith.index_cast %add3A_392 : i32 to index
      %get3A_394 = arith.constant 0 : index
      %get3A_395 = tpu.vector_load %arg11[%get3A_393, %get3A_394] {strides = array<i32>} : memref<512x64xf32, #tpu.memory_space<vmem>>, vector<16xf32>,
      %get3A_396 = arith.index_cast %add3A_392 : i32 to index
      %get3A_397 = arith.constant 0 : index
      %get3A_398 = tpu.vector_load %arg12[%get3A_396, %get3A_397] {strides = array<i32>} : memref<512x64xf32, #tpu.memory_space<vmem>>, vector<16xf32>,
      %mul3A_399 = arith.mulf %get3A_395, %get3A_398 : vector<16xf32>
      %get3A_400 = arith.index_cast %add3A_392 : i32 to index
      %get3A_401 = arith.constant 16 : index
      %get3A_402 = tpu.vector_load %arg11[%get3A_400, %get3A_401] {strides = array<i32>} : memref<512x64xf32, #tpu.memory_space<vmem>>, vector<16xf32>,
      %get3A_403 = arith.index_cast %add3A_392 : i32 to index
      %get3A_404 = arith.constant 16 : index
      %get3A_405 = tpu.vector_load %arg12[%get3A_403, %get3A_404] {strides = array<i32>} : memref<512x64xf32, #tpu.memory_space<vmem>>, vector<16xf32>,
      %mul3A_406 = arith.mulf %get3A_402, %get3A_405 : vector<16xf32>
      %add3A_407 = arith.addf %mul3A_399, %mul3A_406 : vector<16xf32>
      %get3A_408 = arith.index_cast %add3A_392 : i32 to index
      %get3A_409 = arith.constant 32 : index
      %get3A_410 = tpu.vector_load %arg11[%get3A_408, %get3A_409] {strides = array<i32>} : memref<512x64xf32, #tpu.memory_space<vmem>>, vector<16xf32>,
      %get3A_411 = arith.index_cast %add3A_392 : i32 to index
      %get3A_412 = arith.constant 32 : index
      %get3A_413 = tpu.vector_load %arg12[%get3A_411, %get3A_412] {strides = array<i32>} : memref<512x64xf32, #tpu.memory_space<vmem>>, vector<16xf32>,
      %mul3A_414 = arith.mulf %get3A_410, %get3A_413 : vector<16xf32>
      %add3A_415 = arith.addf %add3A_407, %mul3A_414 : vector<16xf32>
      %get3A_416 = arith.index_cast %add3A_392 : i32 to index
      %get3A_417 = arith.constant 48 : index
      %get3A_418 = tpu.vector_load %arg11[%get3A_416, %get3A_417] {strides = array<i32>} : memref<512x64xf32, #tpu.memory_space<vmem>>, vector<16xf32>,
      %get3A_419 = arith.index_cast %add3A_392 : i32 to index
      %get3A_420 = arith.constant 48 : index
      %get3A_421 = tpu.vector_load %arg12[%get3A_419, %get3A_420] {strides = array<i32>} : memref<512x64xf32, #tpu.memory_space<vmem>>, vector<16xf32>,
      %mul3A_422 = arith.mulf %get3A_418, %get3A_421 : vector<16xf32>
      %add3A_423 = arith.addf %add3A_415, %mul3A_422 : vector<16xf32>
      %add3A_424 = arith.constant 10 : i32
      %add3A_425 = vector.broadcast %add3A_424 : i32 to vector<16xi32>
      %add3A_426 = arith.addi %mul3A_23, %add3A_425 : vector<16xi32>
      tpu.vector_store_idx %arg16[%add3A_426], %add3A_423 : memref<256xf32, #tpu.memory_space<vmem>>[vector<16xi32>], vector<16xf32>,
      %add3A_427 = arith.constant 11 : i32
      %add3A_428 = arith.addi %mul3A_31, %add3A_427 : i32
      %get3A_429 = arith.index_cast %add3A_428 : i32 to index
      %get3A_430 = arith.constant 0 : index
      %get3A_431 = tpu.vector_load %arg11[%get3A_429, %get3A_430] {strides = array<i32>} : memref<512x64xf32, #tpu.memory_space<vmem>>, vector<16xf32>,
      %get3A_432 = arith.index_cast %add3A_428 : i32 to index
      %get3A_433 = arith.constant 0 : index
      %get3A_434 = tpu.vector_load %arg12[%get3A_432, %get3A_433] {strides = array<i32>} : memref<512x64xf32, #tpu.memory_space<vmem>>, vector<16xf32>,
      %mul3A_435 = arith.mulf %get3A_431, %get3A_434 : vector<16xf32>
      %get3A_436 = arith.index_cast %add3A_428 : i32 to index
      %get3A_437 = arith.constant 16 : index
      %get3A_438 = tpu.vector_load %arg11[%get3A_436, %get3A_437] {strides = array<i32>} : memref<512x64xf32, #tpu.memory_space<vmem>>, vector<16xf32>,
      %get3A_439 = arith.index_cast %add3A_428 : i32 to index
      %get3A_440 = arith.constant 16 : index
      %get3A_441 = tpu.vector_load %arg12[%get3A_439, %get3A_440] {strides = array<i32>} : memref<512x64xf32, #tpu.memory_space<vmem>>, vector<16xf32>,
      %mul3A_442 = arith.mulf %get3A_438, %get3A_441 : vector<16xf32>
      %add3A_443 = arith.addf %mul3A_435, %mul3A_442 : vector<16xf32>
      %get3A_444 = arith.index_cast %add3A_428 : i32 to index
      %get3A_445 = arith.constant 32 : index
      %get3A_446 = tpu.vector_load %arg11[%get3A_444, %get3A_445] {strides = array<i32>} : memref<512x64xf32, #tpu.memory_space<vmem>>, vector<16xf32>,
      %get3A_447 = arith.index_cast %add3A_428 : i32 to index
      %get3A_448 = arith.constant 32 : index
      %get3A_449 = tpu.vector_load %arg12[%get3A_447, %get3A_448] {strides = array<i32>} : memref<512x64xf32, #tpu.memory_space<vmem>>, vector<16xf32>,
      %mul3A_450 = arith.mulf %get3A_446, %get3A_449 : vector<16xf32>
      %add3A_451 = arith.addf %add3A_443, %mul3A_450 : vector<16xf32>
      %get3A_452 = arith.index_cast %add3A_428 : i32 to index
      %get3A_453 = arith.constant 48 : index
      %get3A_454 = tpu.vector_load %arg11[%get3A_452, %get3A_453] {strides = array<i32>} : memref<512x64xf32, #tpu.memory_space<vmem>>, vector<16xf32>,
      %get3A_455 = arith.index_cast %add3A_428 : i32 to index
      %get3A_456 = arith.constant 48 : index
      %get3A_457 = tpu.vector_load %arg12[%get3A_455, %get3A_456] {strides = array<i32>} : memref<512x64xf32, #tpu.memory_space<vmem>>, vector<16xf32>,
      %mul3A_458 = arith.mulf %get3A_454, %get3A_457 : vector<16xf32>
      %add3A_459 = arith.addf %add3A_451, %mul3A_458 : vector<16xf32>
      %add3A_460 = arith.constant 11 : i32
      %add3A_461 = vector.broadcast %add3A_460 : i32 to vector<16xi32>
      %add3A_462 = arith.addi %mul3A_23, %add3A_461 : vector<16xi32>
      tpu.vector_store_idx %arg16[%add3A_462], %add3A_459 : memref<256xf32, #tpu.memory_space<vmem>>[vector<16xi32>], vector<16xf32>,
      %add3A_463 = arith.constant 12 : i32
      %add3A_464 = arith.addi %mul3A_31, %add3A_463 : i32
      %get3A_465 = arith.index_cast %add3A_464 : i32 to index
      %get3A_466 = arith.constant 0 : index
      %get3A_467 = tpu.vector_load %arg11[%get3A_465, %get3A_466] {strides = array<i32>} : memref<512x64xf32, #tpu.memory_space<vmem>>, vector<16xf32>,
      %get3A_468 = arith.index_cast %add3A_464 : i32 to index
      %get3A_469 = arith.constant 0 : index
      %get3A_470 = tpu.vector_load %arg12[%get3A_468, %get3A_469] {strides = array<i32>} : memref<512x64xf32, #tpu.memory_space<vmem>>, vector<16xf32>,
      %mul3A_471 = arith.mulf %get3A_467, %get3A_470 : vector<16xf32>
      %get3A_472 = arith.index_cast %add3A_464 : i32 to index
      %get3A_473 = arith.constant 16 : index
      %get3A_474 = tpu.vector_load %arg11[%get3A_472, %get3A_473] {strides = array<i32>} : memref<512x64xf32, #tpu.memory_space<vmem>>, vector<16xf32>,
      %get3A_475 = arith.index_cast %add3A_464 : i32 to index
      %get3A_476 = arith.constant 16 : index
      %get3A_477 = tpu.vector_load %arg12[%get3A_475, %get3A_476] {strides = array<i32>} : memref<512x64xf32, #tpu.memory_space<vmem>>, vector<16xf32>,
      %mul3A_478 = arith.mulf %get3A_474, %get3A_477 : vector<16xf32>
      %add3A_479 = arith.addf %mul3A_471, %mul3A_478 : vector<16xf32>
      %get3A_480 = arith.index_cast %add3A_464 : i32 to index
      %get3A_481 = arith.constant 32 : index
      %get3A_482 = tpu.vector_load %arg11[%get3A_480, %get3A_481] {strides = array<i32>} : memref<512x64xf32, #tpu.memory_space<vmem>>, vector<16xf32>,
      %get3A_483 = arith.index_cast %add3A_464 : i32 to index
      %get3A_484 = arith.constant 32 : index
      %get3A_485 = tpu.vector_load %arg12[%get3A_483, %get3A_484] {strides = array<i32>} : memref<512x64xf32, #tpu.memory_space<vmem>>, vector<16xf32>,
      %mul3A_486 = arith.mulf %get3A_482, %get3A_485 : vector<16xf32>
      %add3A_487 = arith.addf %add3A_479, %mul3A_486 : vector<16xf32>
      %get3A_488 = arith.index_cast %add3A_464 : i32 to index
      %get3A_489 = arith.constant 48 : index
      %get3A_490 = tpu.vector_load %arg11[%get3A_488, %get3A_489] {strides = array<i32>} : memref<512x64xf32, #tpu.memory_space<vmem>>, vector<16xf32>,
      %get3A_491 = arith.index_cast %add3A_464 : i32 to index
      %get3A_492 = arith.constant 48 : index
      %get3A_493 = tpu.vector_load %arg12[%get3A_491, %get3A_492] {strides = array<i32>} : memref<512x64xf32, #tpu.memory_space<vmem>>, vector<16xf32>,
      %mul3A_494 = arith.mulf %get3A_490, %get3A_493 : vector<16xf32>
      %add3A_495 = arith.addf %add3A_487, %mul3A_494 : vector<16xf32>
      %add3A_496 = arith.constant 12 : i32
      %add3A_497 = vector.broadcast %add3A_496 : i32 to vector<16xi32>
      %add3A_498 = arith.addi %mul3A_23, %add3A_497 : vector<16xi32>
      tpu.vector_store_idx %arg16[%add3A_498], %add3A_495 : memref<256xf32, #tpu.memory_space<vmem>>[vector<16xi32>], vector<16xf32>,
      %add3A_499 = arith.constant 13 : i32
      %add3A_500 = arith.addi %mul3A_31, %add3A_499 : i32
      %get3A_501 = arith.index_cast %add3A_500 : i32 to index
      %get3A_502 = arith.constant 0 : index
      %get3A_503 = tpu.vector_load %arg11[%get3A_501, %get3A_502] {strides = array<i32>} : memref<512x64xf32, #tpu.memory_space<vmem>>, vector<16xf32>,
      %get3A_504 = arith.index_cast %add3A_500 : i32 to index
      %get3A_505 = arith.constant 0 : index
      %get3A_506 = tpu.vector_load %arg12[%get3A_504, %get3A_505] {strides = array<i32>} : memref<512x64xf32, #tpu.memory_space<vmem>>, vector<16xf32>,
      %mul3A_507 = arith.mulf %get3A_503, %get3A_506 : vector<16xf32>
      %get3A_508 = arith.index_cast %add3A_500 : i32 to index
      %get3A_509 = arith.constant 16 : index
      %get3A_510 = tpu.vector_load %arg11[%get3A_508, %get3A_509] {strides = array<i32>} : memref<512x64xf32, #tpu.memory_space<vmem>>, vector<16xf32>,
      %get3A_511 = arith.index_cast %add3A_500 : i32 to index
      %get3A_512 = arith.constant 16 : index
      %get3A_513 = tpu.vector_load %arg12[%get3A_511, %get3A_512] {strides = array<i32>} : memref<512x64xf32, #tpu.memory_space<vmem>>, vector<16xf32>,
      %mul3A_514 = arith.mulf %get3A_510, %get3A_513 : vector<16xf32>
      %add3A_515 = arith.addf %mul3A_507, %mul3A_514 : vector<16xf32>
      %get3A_516 = arith.index_cast %add3A_500 : i32 to index
      %get3A_517 = arith.constant 32 : index
      %get3A_518 = tpu.vector_load %arg11[%get3A_516, %get3A_517] {strides = array<i32>} : memref<512x64xf32, #tpu.memory_space<vmem>>, vector<16xf32>,
      %get3A_519 = arith.index_cast %add3A_500 : i32 to index
      %get3A_520 = arith.constant 32 : index
      %get3A_521 = tpu.vector_load %arg12[%get3A_519, %get3A_520] {strides = array<i32>} : memref<512x64xf32, #tpu.memory_space<vmem>>, vector<16xf32>,
      %mul3A_522 = arith.mulf %get3A_518, %get3A_521 : vector<16xf32>
      %add3A_523 = arith.addf %add3A_515, %mul3A_522 : vector<16xf32>
      %get3A_524 = arith.index_cast %add3A_500 : i32 to index
      %get3A_525 = arith.constant 48 : index
      %get3A_526 = tpu.vector_load %arg11[%get3A_524, %get3A_525] {strides = array<i32>} : memref<512x64xf32, #tpu.memory_space<vmem>>, vector<16xf32>,
      %get3A_527 = arith.index_cast %add3A_500 : i32 to index
      %get3A_528 = arith.constant 48 : index
      %get3A_529 = tpu.vector_load %arg12[%get3A_527, %get3A_528] {strides = array<i32>} : memref<512x64xf32, #tpu.memory_space<vmem>>, vector<16xf32>,
      %mul3A_530 = arith.mulf %get3A_526, %get3A_529 : vector<16xf32>
      %add3A_531 = arith.addf %add3A_523, %mul3A_530 : vector<16xf32>
      %add3A_532 = arith.constant 13 : i32
      %add3A_533 = vector.broadcast %add3A_532 : i32 to vector<16xi32>
      %add3A_534 = arith.addi %mul3A_23, %add3A_533 : vector<16xi32>
      tpu.vector_store_idx %arg16[%add3A_534], %add3A_531 : memref<256xf32, #tpu.memory_space<vmem>>[vector<16xi32>], vector<16xf32>,
      %add3A_535 = arith.constant 14 : i32
      %add3A_536 = arith.addi %mul3A_31, %add3A_535 : i32
      %get3A_537 = arith.index_cast %add3A_536 : i32 to index
      %get3A_538 = arith.constant 0 : index
      %get3A_539 = tpu.vector_load %arg11[%get3A_537, %get3A_538] {strides = array<i32>} : memref<512x64xf32, #tpu.memory_space<vmem>>, vector<16xf32>,
      %get3A_540 = arith.index_cast %add3A_536 : i32 to index
      %get3A_541 = arith.constant 0 : index
      %get3A_542 = tpu.vector_load %arg12[%get3A_540, %get3A_541] {strides = array<i32>} : memref<512x64xf32, #tpu.memory_space<vmem>>, vector<16xf32>,
      %mul3A_543 = arith.mulf %get3A_539, %get3A_542 : vector<16xf32>
      %get3A_544 = arith.index_cast %add3A_536 : i32 to index
      %get3A_545 = arith.constant 16 : index
      %get3A_546 = tpu.vector_load %arg11[%get3A_544, %get3A_545] {strides = array<i32>} : memref<512x64xf32, #tpu.memory_space<vmem>>, vector<16xf32>,
      %get3A_547 = arith.index_cast %add3A_536 : i32 to index
      %get3A_548 = arith.constant 16 : index
      %get3A_549 = tpu.vector_load %arg12[%get3A_547, %get3A_548] {strides = array<i32>} : memref<512x64xf32, #tpu.memory_space<vmem>>, vector<16xf32>,
      %mul3A_550 = arith.mulf %get3A_546, %get3A_549 : vector<16xf32>
      %add3A_551 = arith.addf %mul3A_543, %mul3A_550 : vector<16xf32>
      %get3A_552 = arith.index_cast %add3A_536 : i32 to index
      %get3A_553 = arith.constant 32 : index
      %get3A_554 = tpu.vector_load %arg11[%get3A_552, %get3A_553] {strides = array<i32>} : memref<512x64xf32, #tpu.memory_space<vmem>>, vector<16xf32>,
      %get3A_555 = arith.index_cast %add3A_536 : i32 to index
      %get3A_556 = arith.constant 32 : index
      %get3A_557 = tpu.vector_load %arg12[%get3A_555, %get3A_556] {strides = array<i32>} : memref<512x64xf32, #tpu.memory_space<vmem>>, vector<16xf32>,
      %mul3A_558 = arith.mulf %get3A_554, %get3A_557 : vector<16xf32>
      %add3A_559 = arith.addf %add3A_551, %mul3A_558 : vector<16xf32>
      %get3A_560 = arith.index_cast %add3A_536 : i32 to index
      %get3A_561 = arith.constant 48 : index
      %get3A_562 = tpu.vector_load %arg11[%get3A_560, %get3A_561] {strides = array<i32>} : memref<512x64xf32, #tpu.memory_space<vmem>>, vector<16xf32>,
      %get3A_563 = arith.index_cast %add3A_536 : i32 to index
      %get3A_564 = arith.constant 48 : index
      %get3A_565 = tpu.vector_load %arg12[%get3A_563, %get3A_564] {strides = array<i32>} : memref<512x64xf32, #tpu.memory_space<vmem>>, vector<16xf32>,
      %mul3A_566 = arith.mulf %get3A_562, %get3A_565 : vector<16xf32>
      %add3A_567 = arith.addf %add3A_559, %mul3A_566 : vector<16xf32>
      %add3A_568 = arith.constant 14 : i32
      %add3A_569 = vector.broadcast %add3A_568 : i32 to vector<16xi32>
      %add3A_570 = arith.addi %mul3A_23, %add3A_569 : vector<16xi32>
      tpu.vector_store_idx %arg16[%add3A_570], %add3A_567 : memref<256xf32, #tpu.memory_space<vmem>>[vector<16xi32>], vector<16xf32>,
      %add3A_571 = arith.constant 15 : i32
      %add3A_572 = arith.addi %mul3A_31, %add3A_571 : i32
      %get3A_573 = arith.index_cast %add3A_572 : i32 to index
      %get3A_574 = arith.constant 0 : index
      %get3A_575 = tpu.vector_load %arg11[%get3A_573, %get3A_574] {strides = array<i32>} : memref<512x64xf32, #tpu.memory_space<vmem>>, vector<16xf32>,
      %get3A_576 = arith.index_cast %add3A_572 : i32 to index
      %get3A_577 = arith.constant 0 : index
      %get3A_578 = tpu.vector_load %arg12[%get3A_576, %get3A_577] {strides = array<i32>} : memref<512x64xf32, #tpu.memory_space<vmem>>, vector<16xf32>,
      %mul3A_579 = arith.mulf %get3A_575, %get3A_578 : vector<16xf32>
      %get3A_580 = arith.index_cast %add3A_572 : i32 to index
      %get3A_581 = arith.constant 16 : index
      %get3A_582 = tpu.vector_load %arg11[%get3A_580, %get3A_581] {strides = array<i32>} : memref<512x64xf32, #tpu.memory_space<vmem>>, vector<16xf32>,
      %get3A_583 = arith.index_cast %add3A_572 : i32 to index
      %get3A_584 = arith.constant 16 : index
      %get3A_585 = tpu.vector_load %arg12[%get3A_583, %get3A_584] {strides = array<i32>} : memref<512x64xf32, #tpu.memory_space<vmem>>, vector<16xf32>,
      %mul3A_586 = arith.mulf %get3A_582, %get3A_585 : vector<16xf32>
      %add3A_587 = arith.addf %mul3A_579, %mul3A_586 : vector<16xf32>
      %get3A_588 = arith.index_cast %add3A_572 : i32 to index
      %get3A_589 = arith.constant 32 : index
      %get3A_590 = tpu.vector_load %arg11[%get3A_588, %get3A_589] {strides = array<i32>} : memref<512x64xf32, #tpu.memory_space<vmem>>, vector<16xf32>,
      %get3A_591 = arith.index_cast %add3A_572 : i32 to index
      %get3A_592 = arith.constant 32 : index
      %get3A_593 = tpu.vector_load %arg12[%get3A_591, %get3A_592] {strides = array<i32>} : memref<512x64xf32, #tpu.memory_space<vmem>>, vector<16xf32>,
      %mul3A_594 = arith.mulf %get3A_590, %get3A_593 : vector<16xf32>
      %add3A_595 = arith.addf %add3A_587, %mul3A_594 : vector<16xf32>
      %get3A_596 = arith.index_cast %add3A_572 : i32 to index
      %get3A_597 = arith.constant 48 : index
      %get3A_598 = tpu.vector_load %arg11[%get3A_596, %get3A_597] {strides = array<i32>} : memref<512x64xf32, #tpu.memory_space<vmem>>, vector<16xf32>,
      %get3A_599 = arith.index_cast %add3A_572 : i32 to index
      %get3A_600 = arith.constant 48 : index
      %get3A_601 = tpu.vector_load %arg12[%get3A_599, %get3A_600] {strides = array<i32>} : memref<512x64xf32, #tpu.memory_space<vmem>>, vector<16xf32>,
      %mul3A_602 = arith.mulf %get3A_598, %get3A_601 : vector<16xf32>
      %add3A_603 = arith.addf %add3A_595, %mul3A_602 : vector<16xf32>
      %add3A_604 = arith.constant 15 : i32
      %add3A_605 = vector.broadcast %add3A_604 : i32 to vector<16xi32>
      %add3A_606 = arith.addi %mul3A_23, %add3A_605 : vector<16xi32>
      tpu.vector_store_idx %arg16[%add3A_606], %add3A_603 : memref<256xf32, #tpu.memory_space<vmem>>[vector<16xi32>], vector<16xf32>,
      %get3A_607 = arith.constant 0 : index
      %get3A_608 = tpu.vector_load %arg16[%get3A_607] {strides = array<i32>} : memref<256xf32, #tpu.memory_space<vmem>>, vector<16xf32>,
      %get3A_609 = arith.constant 16 : index
      %get3A_610 = tpu.vector_load %arg16[%get3A_609] {strides = array<i32>} : memref<256xf32, #tpu.memory_space<vmem>>, vector<16xf32>,
      %add3A_611 = arith.addf %get3A_608, %get3A_610 : vector<16xf32>
      %get3A_612 = arith.constant 32 : index
      %get3A_613 = tpu.vector_load %arg16[%get3A_612] {strides = array<i32>} : memref<256xf32, #tpu.memory_space<vmem>>, vector<16xf32>,
      %add3A_614 = arith.addf %add3A_611, %get3A_613 : vector<16xf32>
      %get3A_615 = arith.constant 48 : index
      %get3A_616 = tpu.vector_load %arg16[%get3A_615] {strides = array<i32>} : memref<256xf32, #tpu.memory_space<vmem>>, vector<16xf32>,
      %add3A_617 = arith.addf %add3A_614, %get3A_616 : vector<16xf32>
      %get3A_618 = arith.constant 64 : index
      %get3A_619 = tpu.vector_load %arg16[%get3A_618] {strides = array<i32>} : memref<256xf32, #tpu.memory_space<vmem>>, vector<16xf32>,
      %add3A_620 = arith.addf %add3A_617, %get3A_619 : vector<16xf32>
      %get3A_621 = arith.constant 80 : index
      %get3A_622 = tpu.vector_load %arg16[%get3A_621] {strides = array<i32>} : memref<256xf32, #tpu.memory_space<vmem>>, vector<16xf32>,
      %add3A_623 = arith.addf %add3A_620, %get3A_622 : vector<16xf32>
      %get3A_624 = arith.constant 96 : index
      %get3A_625 = tpu.vector_load %arg16[%get3A_624] {strides = array<i32>} : memref<256xf32, #tpu.memory_space<vmem>>, vector<16xf32>,
      %add3A_626 = arith.addf %add3A_623, %get3A_625 : vector<16xf32>
      %get3A_627 = arith.constant 112 : index
      %get3A_628 = tpu.vector_load %arg16[%get3A_627] {strides = array<i32>} : memref<256xf32, #tpu.memory_space<vmem>>, vector<16xf32>,
      %add3A_629 = arith.addf %add3A_626, %get3A_628 : vector<16xf32>
      %get3A_630 = arith.constant 128 : index
      %get3A_631 = tpu.vector_load %arg16[%get3A_630] {strides = array<i32>} : memref<256xf32, #tpu.memory_space<vmem>>, vector<16xf32>,
      %add3A_632 = arith.addf %add3A_629, %get3A_631 : vector<16xf32>
      %get3A_633 = arith.constant 144 : index
      %get3A_634 = tpu.vector_load %arg16[%get3A_633] {strides = array<i32>} : memref<256xf32, #tpu.memory_space<vmem>>, vector<16xf32>,
      %add3A_635 = arith.addf %add3A_632, %get3A_634 : vector<16xf32>
      %get3A_636 = arith.constant 160 : index
      %get3A_637 = tpu.vector_load %arg16[%get3A_636] {strides = array<i32>} : memref<256xf32, #tpu.memory_space<vmem>>, vector<16xf32>,
      %add3A_638 = arith.addf %add3A_635, %get3A_637 : vector<16xf32>
      %get3A_639 = arith.constant 176 : index
      %get3A_640 = tpu.vector_load %arg16[%get3A_639] {strides = array<i32>} : memref<256xf32, #tpu.memory_space<vmem>>, vector<16xf32>,
      %add3A_641 = arith.addf %add3A_638, %get3A_640 : vector<16xf32>
      %get3A_642 = arith.constant 192 : index
      %get3A_643 = tpu.vector_load %arg16[%get3A_642] {strides = array<i32>} : memref<256xf32, #tpu.memory_space<vmem>>, vector<16xf32>,
      %add3A_644 = arith.addf %add3A_641, %get3A_643 : vector<16xf32>
      %get3A_645 = arith.constant 208 : index
      %get3A_646 = tpu.vector_load %arg16[%get3A_645] {strides = array<i32>} : memref<256xf32, #tpu.memory_space<vmem>>, vector<16xf32>,
      %add3A_647 = arith.addf %add3A_644, %get3A_646 : vector<16xf32>
      %get3A_648 = arith.constant 224 : index
      %get3A_649 = tpu.vector_load %arg16[%get3A_648] {strides = array<i32>} : memref<256xf32, #tpu.memory_space<vmem>>, vector<16xf32>,
      %add3A_650 = arith.addf %add3A_647, %get3A_649 : vector<16xf32>
      %get3A_651 = arith.constant 240 : index
      %get3A_652 = tpu.vector_load %arg16[%get3A_651] {strides = array<i32>} : memref<256xf32, #tpu.memory_space<vmem>>, vector<16xf32>,
      %add3A_653 = arith.addf %add3A_650, %get3A_652 : vector<16xf32>
      %get3A_654 = arith.index_cast %mul3A_31 : i32 to index
      %get3A_655 = tpu.vector_load %arg13[%get3A_654] {strides = array<i32>} : memref<512xf32, #tpu.memory_space<vmem>>, vector<16xf32>,
      %add3A_656 = arith.addf %add3A_653, %get3A_655 : vector<16xf32>
      %get3A_657 = arith.index_cast %mul3A_31 : i32 to index
      %get3A_658 = tpu.vector_load %arg14[%get3A_657] {strides = array<i32>} : memref<512xf32, #tpu.memory_space<vmem>>, vector<16xf32>,
      %add3A_659 = arith.addf %add3A_656, %get3A_658 : vector<16xf32>
      %swap3A = arith.index_cast %mul3A_31 : i32 to index
      %swap3A_660 = tpu.vector_load %arg15[%swap3A] {strides = array<i32>} : memref<512xf32, #tpu.memory_space<vmem>>, vector<16xf32>,
      tpu.vector_store %arg15[%swap3A], %add3A_659 {strides = array<i32>} : memref<512xf32, #tpu.memory_space<vmem>>, vector<16xf32>,
    }
    %scan3A_28 = arith.constant 32 : i32
    "tpu.region"() ({
      %run_scoped3A = tpu.sem_alloc : memref<!tpu.dma_semaphore, #tpu.memory_space<semaphore_mem>>
      %dma_start3A_29 = tpu.memref_slice %arg8[%mul3A_2] : memref<16384xf32, #tpu.memory_space<hbm>> -> memref<512xf32, #tpu.memory_space<hbm>>
      %dma_start3A_30 = tpu.memref_slice %arg8[%mul3A_2] : memref<16384xf32, #tpu.memory_space<hbm>> -> memref<512xf32, #tpu.memory_space<hbm>>
      tpu.enqueue_dma source(%arg15 : memref<512xf32, #tpu.memory_space<vmem>>) target(%dma_start3A_30 : memref<512xf32, #tpu.memory_space<hbm>>) target_semaphore(%run_scoped3A : memref<!tpu.dma_semaphore, #tpu.memory_space<semaphore_mem>>)
      %dma_wait3A_31 = tpu.memref_slice %arg8[%mul3A_2] : memref<16384xf32, #tpu.memory_space<hbm>> -> memref<512xf32, #tpu.memory_space<hbm>>
      %dma_wait3A_32 = tpu.memref_slice %arg8[%mul3A_2] : memref<16384xf32, #tpu.memory_space<hbm>> -> memref<512xf32, #tpu.memory_space<hbm>>
      tpu.wait_dma2 semaphore(%run_scoped3A : memref<!tpu.dma_semaphore, #tpu.memory_space<semaphore_mem>>) src(%arg15 : memref<512xf32, #tpu.memory_space<vmem>>) dst(%dma_wait3A_32 : memref<512xf32, #tpu.memory_space<hbm>>)
      tpu.yield
    }) : () -> ()
    return
  }
}

</mosaic_0001>

<sc_bundles>
// kernel: kernel.3.cloned.1.call-start
scs
__scs_entry_jumppad:
0x0: {  	(pc) =	sbr.rel $0x88, $3  }
0x1: {  	(tag) =	ssettag $0x0;
	lr =	simm.s32 $0x1  }
0x2: {  	[smem:$0x3F9B] =	sst lr;
	_ =	strace $0xD0000000  }
0x3: {  	_ = 	snop  }
0x4: {  	_ = 	snop  }
0x5: {  	_ = 	snop  }
0x6: {  	_ = 	snop  }
0x7: {  	_ = 	snop  }
__scs_overlays_trampoline_lowered:
0x8: {  	[smem:$0x3FAA] =	sst s0  }
0x9: {  	[smem:$0x3FAB] =	sst s1  }
0xa: {  	[smem:$0x3FAC] =	sst s2  }
0xb: {  	[smem:$0x3FAD] =	sst s3  }
0xc: {  	[smem:$0x3FAE] =	sst s4  }
0xd: {  	[smem:$0x3FAF] =	sst s5  }
0xe: {  	[smem:$0x3FB0] =	sst s6  }
0xf: {  	[smem:$0x3FB1] =	sst s7  }
0x10: {  	[smem:$0x3FB2] =	sst s8  }
0x11: {  	[smem:$0x3FB3] =	sst s9;
	s0 =	simm.s32 @!p0 $0x0  }
0x12: {  	s1 =	sld [smem:$0x3F99];
	s0 =	simm.s32 @p0 $0x1  }
0x13: {  	[smem:$0x3FB4] =	sst s0;
	s0 =	simm.s32 @!p1 $0x0  }
0x14: {  	s2 =	sld [smem:$0x3F98];
	s0 =	simm.s32 @p1 $0x1  }
0x15: {  	[smem:$0x3FB5] =	sst s0;
	s0 =	simm.s32 @!p2 $0x0  }
0x16: {  	s3 =	sld [smem:$0x3FDB];
	s0 =	simm.s32 @p2 $0x1  }
0x17: {  	s4 =	simm.s32 $0x1BF5;
	[smem:$0x3FB7] =	sst s0  }
0x18: {  	s0 =	sld [smem:$0x3F9A];
	_ =	swait.ge [sflag:s4], $0x0  }
0x19: {  	s7 =	sld [smem:$0x3F9B]  }
0x1a: {  	s8 =	sadd.s32 $0xFFFFE003, lr  }
0x1b: {  	s9 =	sadd.s32 $0xFFFFFEF7, lr;
	s5 =	simm.s32 $0xFFFFFFFF;
	p2 =	slt.u32 s8, $0xFFFFF086  }
0x1c: {  	p1 =	slt.u32 s9, $0xF7A;
	s5 =	simm.s32 @!p2 $0x0  }
0x1d: {  	s5 =	simm.s32 @p1 $0x1;
	p0 =	seq.s32 s7, s2  }
0x1e: {  	s7 =	smul.u32 @!p0 $0xF7A, s2;
	p2 =	seq.s32 @!p0 s5, $0x0  }
0x1f: {  	s9 =	smul.u32 $0xF7A, s1;
	s8 =	simm.s32 @!p0 $0x1BF5;
	p2 =	por !p2, p0  }
0x20: {  	[sflag:s8] =	ssyncset.s32 @!p0 $0xFFFFF086;
	s6 =	sadd.s32 @!p0 s3, s7;
	s7 =	simm.s32 @!p0 $0x108  }
0x21: {  	s3 =	sadd.s32 s3, s9;
	s6 =	sadd.s32 @!p0 $0x88, s6;
	s7 =	simm.s32 @p2 $0x1082  }
0x22: {  	[simem:s7], [sflag:s8] =	dma.local @!p0 [hbm:s6], $0xF7A  }
0x23: {  	s9 =	sor.u32 $0xD0000000, s2;
	s6 =	simm.s32 $0x108;
	_ =	swait.ge @!p0 [sflag:s8], $0x0  }
0x24: {  	s3 =	sadd.s32 $0x88, s3;
	s6 =	simm.s32 @!p1 $0x1082;
	[sflag:s4] =	ssyncset.s32 $0xFFFFF086  }
0x25: {  	[simem:s6], [sflag:s4] =	dma.local [hbm:s3], $0xF7A  }
0x26: {  	[smem:$0x3F9B] =	sst s1;
	(tag) =	ssettag s2;
	_ =	strace s9  }
0x27: {  	s1 =	sld [smem:$0x3FAB]  }
0x28: {  	s2 =	sld [smem:$0x3FAC]  }
0x29: {  	s4 =	sld [smem:$0x3FAE]  }
0x2a: {  	p0 =	seq.s32 s5, $0x0;
	s5 =	sld [smem:$0x3FAF]  }
0x2b: {  	s6 =	sld [smem:$0x3FB0]  }
0x2c: {  	s7 =	sld [smem:$0x3FB1]  }
0x2d: {  	s3 =	simm.s32 $0x108;
	s8 =	sld [smem:$0x3FB2]  }
0x2e: {  	s3 =	simm.s32 @!p0 $0x1082;
	s9 =	sld [smem:$0x3FB3]  }
0x2f: {  	lr =	sadd.s32 s0, s3;
	s0 =	sld [smem:$0x3FAA]  }
0x30: {  	s3 =	sld [smem:$0x3FAD]  }
0x31: {  	[smem:$0x3FB6] =	sst s10  }
0x32: {  	s10 =	sld [smem:$0x3FB4];
	_ =	sdelay $0x3  }
0x33: {  	p0 =	seq.s32 s10, $0x1;
	s10 =	sld [smem:$0x3FB6];
	_ =	sdelay $0x3  }
0x34: {  	[smem:$0x3FB6] =	sst s10  }
0x35: {  	s10 =	sld [smem:$0x3FB5];
	_ =	sdelay $0x3  }
0x36: {  	p1 =	seq.s32 s10, $0x1;
	s10 =	sld [smem:$0x3FB6];
	_ =	sdelay $0x3  }
0x37: {  	[smem:$0x3FB6] =	sst s10  }
0x38: {  	s10 =	sld [smem:$0x3FB7]  }
0x39: {  	_ = 	snop;
	(pc) =	sbr.ind lr, $3  }
0x3a: {  	_ = 	snop  }
0x3b: {  	_ = 	snop  }
0x3c: {  	p2 =	seq.s32 s10, $0x1;
	s10 =	sld [smem:$0x3FB6]  }
0x3d: {  	_ =	shalt  }
0x3e: {  	_ =	shalt  }
0x3f: {  	_ =	shalt  }
0x40: {  	_ =	shalt  }
0x41: {  	_ =	shalt  }
0x42: {  	_ =	shalt  }
0x43: {  	_ =	shalt  }
0x44: {  	_ =	shalt  }
0x45: {  	_ =	shalt  }
0x46: {  	_ =	shalt  }
0x47: {  	_ =	shalt  }
0x48: {  	_ =	shalt  }
0x49: {  	_ =	shalt  }
0x4a: {  	_ =	shalt  }
0x4b: {  	_ =	shalt  }
0x4c: {  	_ =	shalt  }
0x4d: {  	_ =	shalt  }
0x4e: {  	_ =	shalt  }
0x4f: {  	_ =	shalt  }
0x50: {  	_ =	shalt  }
0x51: {  	_ =	shalt  }
0x52: {  	_ =	shalt  }
0x53: {  	_ =	shalt  }
0x54: {  	_ =	shalt  }
0x55: {  	_ =	shalt  }
0x56: {  	_ =	shalt  }
0x57: {  	_ =	shalt  }
0x58: {  	_ =	shalt  }
0x59: {  	_ =	shalt  }
0x5a: {  	_ =	shalt  }
0x5b: {  	_ =	shalt  }
0x5c: {  	_ =	shalt  }
0x5d: {  	_ =	shalt  }
0x5e: {  	_ =	shalt  }
0x5f: {  	_ =	shalt  }
0x60: {  	_ =	shalt  }
0x61: {  	_ =	shalt  }
0x62: {  	_ =	shalt  }
0x63: {  	_ =	shalt  }
0x64: {  	_ =	shalt  }
0x65: {  	_ =	shalt  }
0x66: {  	_ =	shalt  }
0x67: {  	_ =	shalt  }
0x68: {  	_ =	shalt  }
0x69: {  	_ =	shalt  }
0x6a: {  	_ =	shalt  }
0x6b: {  	_ =	shalt  }
0x6c: {  	_ =	shalt  }
0x6d: {  	_ =	shalt  }
0x6e: {  	_ =	shalt  }
0x6f: {  	_ =	shalt  }
0x70: {  	_ =	shalt  }
0x71: {  	_ =	shalt  }
0x72: {  	_ =	shalt  }
0x73: {  	_ =	shalt  }
0x74: {  	_ =	shalt  }
0x75: {  	_ =	shalt  }
0x76: {  	_ =	shalt  }
0x77: {  	_ =	shalt  }
0x78: {  	_ =	shalt  }
0x79: {  	_ =	shalt  }
0x7a: {  	_ =	shalt  }
0x7b: {  	_ =	shalt  }
0x7c: {  	_ =	shalt  }
0x7d: {  	_ =	shalt  }
0x7e: {  	_ =	shalt  }
0x7f: {  	_ =	shalt  }
0x80: {  	_ =	shalt  }
0x81: {  	_ =	shalt  }
0x82: {  	_ =	shalt  }
0x83: {  	_ =	shalt  }
0x84: {  	_ =	shalt  }
0x85: {  	_ =	shalt  }
0x86: {  	_ =	shalt  }
0x87: {  	_ =	shalt  }
.Lfunc_end0:
.L_simem_size_0:
called_computation_lowered:
.L_overlay_start_0:
0x88: {  	s2 =	sld [smem:$0x3FD9]  }
0x89: {  	s3 =	sld [smem:$0x3FFE];
	_ =	sdelay $0x1  }
0x8a: {  	s1 =	srdreg.scid  }
0x8b: {  	s0 =	sand.u32 $0x1, s1  }
0x8c: {  	s17 =	sshll.u32 s0, $0xA;
	s2 =	sadd.s32 s3, s2  }
0x8d: {  	s2 =	sadd.s32 s2, s17  }
0x8e: {  	[smem:$0x3FC2] =	sst s2  }
0x8f: {  	_ = 	snop  }
0x90: {  	s2 =	sld [smem:$0x3FC9]  }
0x91: {  	s18 =	sld [smem:$0x3FC8]  }
0x92: {  	s4 =	sld [smem:$0x3FD0];
	(tm) =	ssettm $0x1  }
0x93: {  	s5 =	sld [smem:$0x3FFB];
	_ =	sdelay $0x3  }
0x94: {  	_ =	strace s5  }
0x95: {  	s5 =	sld [smem:$0x3FFC];
	_ =	sdelay $0x3  }
0x96: {  	_ =	strace s5  }
0x97: {  	s5 =	sld [smem:$0x3FFD];
	_ =	sdelay $0x3  }
0x98: {  	_ =	strace s5  }
0x99: {  	_ =	strace $0x8FFFFFFF  }
0x9a: {  	s19 =	sld [smem:$0x3FDB];
	_ =	sdelay $0x1  }
0x9b: {  	s6 =	simm.s32 $_scs_section_size  }
0x9c: {  	s7 =	simm.s32 $_size__tile_overlayer_lowered;
	s8 =	simm.s32 $_tile_overlayer_lowered  }
0x9d: {  	s22 =	simm.s32 $0x1BFF;
	s21 =	sshll.u32 s8, $0x1;
	s5 =	sadd.s32 s6, s19  }
0x9e: {  	s9 =	simm.s32 $0x0;
	s20 =	sshll.u32 s7, $0x1;
	s7 =	sadd.s32 s21, s5  }
0x9f: {  	[timem:s9], [sflag:s22] =	dma.local [hbm:s7], s20  }
0xa0: {  	_ =	swait.ge [sflag:s22], s20  }
0xa1: {  	s6 =	ssub.s32 $0x0, s20;
	[sflag:s22] =	ssyncset.done $0x0  }
0xa2: {  	[sflag:s22] =	ssyncadd.s32 s6;
	_ =	sdelay $0x1  }
0xa3: {  	s23 =	simm.s32 $0x1B8B  }
0xa4: {  	_ =	swait.ge [sflag:s23], $0x1  }
0xa5: {  	[sflag:s23] =	ssyncset.done $0x0  }
0xa6: {  	s25 =	simm.s32 $0x1B8E;
	s24 =	sld [smem:$0x3FFE];
	[sflag:s23] =	ssyncadd.s32 $0xFFFFFFFF  }
0xa7: {  	s26 =	simm.s32 $execute0_lowered;
	[smem:$0x3FD2] =	sst s25  }
0xa8: {  	s7 =	sshll.u32 s26, $0x1;
	_ =	strace $0x80000046;
	[dreg:$0x1] =	wrdreg $0xFFFFFFFF  }
0xa9: {  	s28 =	simm.s32 $_size_execute0_lowered;
	s5 =	sadd.s32 s5, s7;
	[dreg:$0x0] =	wrdreg $0x0  }
0xaa: {  	s7 =	sshll.u32 s28, $0x1;
	[dreg:$0x2] =	wrdreg s5  }
0xab: {  	[dreg:$0x3] =	wrdreg s7  }
0xac: {  	[dreg:$0x4] =	wrdreg $0xC0  }
0xad: {  	_ =	task [dreg:s9], $0x5FFFF  }
0xae: {  	[dreg:$0x1] =	wrdreg $0xFFFFFFFF  }
0xaf: {  	[dreg:$0x0] =	wrdreg $0x60  }
0xb0: {  	[dreg:$0x2] =	wrdreg s2  }
0xb1: {  	[dreg:$0x3] =	wrdreg s18  }
0xb2: {  	[dreg:$0x4] =	wrdreg s24  }
0xb3: {  	[dreg:$0x5] =	wrdreg s4  }
0xb4: {  	[dreg:$0x6] =	wrdreg $0x9  }
0xb5: {  	_ =	task.clear_ibuf [dreg:s9], $0x7FFFF;
	_ =	strace $0x90000046  }
0xb6: {  	s29 =	simm.s32 $0x9;
	_ =	strace $0x80000048  }
0xb7: {  	_ =	swait.ge [sflag:s29], $0x1  }
0xb8: {  	[sflag:s29] =	ssyncadd.s32 $0xFFFFFFFF  }
0xb9: {  	_ =	strace $0x90000048  }
0xba: {  	_ =	sfence  }
0xbb: {  	s30 =	sld [smem:$0x0];
	_ =	sdelay $0x2  }
0xbc: {  	s31 =	sshll.u32 s1, $0xD;
	s1 =	sshrl.u32 s1, $0x2  }
0xbd: {  	s3 =	sand.u32 $0x4000, s31;
	s1 =	sadd.s32 s1, s30  }
0xbe: {  	s0 =	sor.u32 s3, s0;
	s1 =	sshll.u32 s1, $0x11  }
0xbf: {  	s0 =	sor.u32 s1, s0  }
0xc0: {  	s0 =	sadd.s32 $0x8F2B, s0  }
0xc1: {  	[sflag:s0] =	ssyncadd.remote.s32 $0x1  }
0xc2: {  	_ =	sfence.sel $0xFFFF  }
0xc3: {  	[dreg:$0x0] =	wrdreg $0xFFFFFFFF;
	(pc) =	sbr.abs _section_cstart, $3  }
0xc4: {  	[dreg:$0x1] =	wrdreg $0xFFFFFFFF  }
0xc5: {  	_ =	task.clear_ibuf [dreg:s9], $0x2FFFF;
	_ =	strace $0x9FFFFFFF  }
0xc6: {  	(tm) =	ssettm $0x7FFFFFFF  }
0xc7: {  	_ =	shalt  }
tec
execute0_lowered:
.L_overlay_start_1:
0x0: {  	(tag) =	ssettag $0x1  }
0x1: {  	s7 =	rddreg [dreg:$0x0]  }
0x2: {  	s8 =	rddreg [dreg:$0x1]  }
0x3: {  	s1 =	rddreg [dreg:$0x2]  }
0x4: {  	s9 =	rddreg [dreg:$0x3]  }
0x5: {  	s0 =	rddreg [dreg:$0x4];
	s2 =	simm.s32 $0x0;
	s6 =	srdreg.scid  }
0x6: {  	s3 =	stileid.u32;
	s14 =	simm.s32 $0x10400;
	s15 =	simm.s32 $0x8400  }
0x7: {  	s16 =	simm.s32 $0x10600;
	s17 =	simm.s32 $0x1;
	s18 =	simm.s32 $0x2  }
0x8: {  	v0 =	vlaneseq.u32;
	s19 =	simm.s32 $0x3;
	s20 =	simm.s32 $0x4;
	s21 =	simm.s32 $0x10A00  }
0x9: {  	s22 =	simm.s32 $0x10800;
	s23 =	simm.s32 $0x0;
	[smem:$0x7FF] =	sst s2;
	v0 =	vmul.u32 $0x10, v0  }
0xa: {  	s4 =	sadd.s32 $0x16E3600, s1;
	s5 =	sadd.s32 $0xF42400, s1;
	s6 =	sand.u32 $0x1, s6  }
0xb: {  	s11 =	sshll.u32 s3, $0x7;
	_ =	strace $0x80000047;
	s10 =	ssub.s32 $0x2, s6;
	v1 =	vor.u32 $0x1, v0;
	v2 =	vor.u32 $0x2, v0;
	v3 =	vor.u32 $0x3, v0  }
0xc: {  	s12 =	sshll.u32 s6, $0x6;
	s6 =	sadd.s32 $0x1EA00, s1;
	s13 =	sshrl.u32 s10, $0x1;
	v4 =	vor.u32 $0x4, v0;
	v5 =	vor.u32 $0x5, v0;
	v6 =	vor.u32 $0x6, v0  }
0xd: {  	s11 =	sor.u32 s12, s11;
	s12 =	simm.s32 $0x200;
	v7 =	vor.u32 $0x7, v0;
	v8 =	vor.u32 $0x8, v0;
	v9 =	vor.u32 $0x9, v0;
	s10 =	ssub.s32 s10, s13  }
0xe: {  	v10 =	vor.u32 $0xA, v0;
	v11 =	vor.u32 $0xB, v0;
	v12 =	vor.u32 $0xC, v0;
	s7 =	sadd.s32 s7, s11;
	s8 =	sadd.s32 s8, s11;
	s9 =	sadd.s32 s9, s11  }
0xf: {  	v13 =	vor.u32 $0xD, v0;
	v14 =	vor.u32 $0xE, v0;
	v15 =	vor.u32 $0xF, v0;
	s11 =	simm.s32 $0x5;
	s13 =	simm.s32 $0x400;
	s10 =	smax.u32 s10, $0x1  }
.LBB2_1:
0x10: {  	[tilespmem:s2], [sflag:$0x5] =	stream.linear.gather [hbm4b:s7+s2], $0x200, $0x38;
	[tilespmem:$0x10B00] =	vst v63  }
0x11: {  	_ =	swait.ge [sflag:s11], $0x200  }
0x12: {  	[sflag:s11] =	ssyncset.done $0x0  }
0x13: {  	[sflag:s11] =	ssyncadd.s32 $0xFFFFFE00  }
0x14: {  	[tilespmem:s13], [sflag:$0x1] =	stream.indirect.gather [hbm4b:s4+s12], $0x40, s2, s12, $0xb8;
	[tilespmem:$0x10B00] =	vst v63  }
0x15: {  	_ = 	snop  }
0x16: {  	[tilespmem:s14], [sflag:$0x3] =	stream.indirect.gather [hbm4b:s6+s12], $0x1, s2, s12, $0xb8;
	[tilespmem:$0x10B00] =	vst v63  }
0x17: {  	_ = 	snop  }
0x18: {  	[tilespmem:s12], [sflag:$0x5] =	stream.linear.gather [hbm4b:s8+s2], $0x200, $0x38;
	[tilespmem:$0x10B00] =	vst v63  }
0x19: {  	_ =	swait.ge [sflag:s11], $0x200  }
0x1a: {  	[sflag:s11] =	ssyncset.done $0x0  }
0x1b: {  	[sflag:s11] =	ssyncadd.s32 $0xFFFFFE00  }
0x1c: {  	[tilespmem:s15], [sflag:$0x2] =	stream.indirect.gather [hbm4b:s5+s12], $0x40, s12, s12, $0xb8;
	[tilespmem:$0x10B00] =	vst v63  }
0x1d: {  	_ = 	snop  }
0x1e: {  	[tilespmem:s16], [sflag:$0x4] =	stream.indirect.gather [hbm4b:s1+s12], $0x1, s12, s12, $0xb8;
	[tilespmem:$0x10B00] =	vst v63  }
0x1f: {  	_ =	swait.ge [sflag:s17], $0x8000  }
0x20: {  	[sflag:s17] =	ssyncset.done $0x0  }
0x21: {  	[sflag:s17] =	ssyncadd.s32 $0xFFFF8000  }
0x22: {  	_ =	swait.ge [sflag:s18], $0x8000  }
0x23: {  	[sflag:s18] =	ssyncset.done $0x0  }
0x24: {  	[sflag:s18] =	ssyncadd.s32 $0xFFFF8000  }
0x25: {  	_ =	swait.ge [sflag:s19], $0x200  }
0x26: {  	[sflag:s19] =	ssyncset.done $0x0  }
0x27: {  	[sflag:s19] =	ssyncadd.s32 $0xFFFFFE00  }
0x28: {  	_ =	swait.ge [sflag:s20], $0x200  }
0x29: {  	[sflag:s20] =	ssyncset.done $0x0  }
0x2a: {  	s24 =	simm.s32 $0x600;
	[sflag:s20] =	ssyncadd.s32 $0xFFFFFE00  }
0x2b: {  	s25 =	simm.s32 $0x8600;
	v16 =	vld [tilespmem:s24+$0xFFFFFE00]  }
0x2c: {  	v17 =	vld [tilespmem:s25+$0xFFFFFE10]  }
0x2d: {  	v18 =	vld [tilespmem:s24+$0xFFFFFE10]  }
0x2e: {  	v19 =	vld [tilespmem:s25+$0xFFFFFE00]  }
0x2f: {  	v20 =	vld [tilespmem:s25+$0xFFFFFE20]  }
0x30: {  	v21 =	vld [tilespmem:s24+$0xFFFFFE20]  }
0x31: {  	v22 =	vld [tilespmem:s25+$0xFFFFFE30]  }
0x32: {  	v23 =	vld [tilespmem:s24+$0xFFFFFE30]  }
0x33: {  	v17 =	vmul.f32 v17, v18;
	v16 =	vmul.f32 v19, v16;
	_ =	sdelay $0x1  }
0x34: {  	v16 =	vadd.f32 v17, v16;
	v17 =	vmul.f32 v20, v21;
	_ =	sdelay $0x1  }
0x35: {  	v16 =	vadd.f32 v17, v16;
	v17 =	vmul.f32 v22, v23;
	_ =	sdelay $0x1  }
0x36: {  	v16 =	vadd.f32 v17, v16;
	_ =	sdelay $0x1  }
0x37: {  	[tilespmem:v0+s21+$0x0] =	vst.idx.msk $0xffff, v16  }
0x38: {  	v16 =	vld [tilespmem:s25+$0xFFFFFE50]  }
0x39: {  	v17 =	vld [tilespmem:s24+$0xFFFFFE40]  }
0x3a: {  	v18 =	vld [tilespmem:s24+$0xFFFFFE50]  }
0x3b: {  	v19 =	vld [tilespmem:s25+$0xFFFFFE40]  }
0x3c: {  	v20 =	vld [tilespmem:s25+$0xFFFFFE60]  }
0x3d: {  	v60 =	vld [tilespmem:s24+$0xFFFFFE60]  }
0x3e: {  	v61 =	vld [tilespmem:s25+$0xFFFFFE70]  }
0x3f: {  	v62 =	vld [tilespmem:s24+$0xFFFFFE70]  }
0x40: {  	v16 =	vmul.f32 v16, v18;
	v17 =	vmul.f32 v19, v17;
	_ =	sdelay $0x1  }
0x41: {  	v16 =	vadd.f32 v16, v17;
	v17 =	vmul.f32 v20, v60;
	_ =	sdelay $0x1  }
0x42: {  	v16 =	vadd.f32 v17, v16;
	v17 =	vmul.f32 v61, v62;
	_ =	sdelay $0x1  }
0x43: {  	v16 =	vadd.f32 v17, v16;
	_ =	sdelay $0x1  }
0x44: {  	[tilespmem:v1+s21+$0x0] =	vst.idx.msk $0xffff, v16  }
0x45: {  	v16 =	vld [tilespmem:s24+$0xFFFFFE80]  }
0x46: {  	v17 =	vld [tilespmem:s25+$0xFFFFFE80]  }
0x47: {  	v18 =	vld [tilespmem:s25+$0xFFFFFE90]  }
0x48: {  	v19 =	vld [tilespmem:s24+$0xFFFFFE90]  }
0x49: {  	v20 =	vld [tilespmem:s25+$0xFFFFFEA0]  }
0x4a: {  	v63 =	vld [tilespmem:s24+$0xFFFFFEA0]  }
0x4b: {  	v24 =	vld [tilespmem:s25+$0xFFFFFEB0]  }
0x4c: {  	v25 =	vld [tilespmem:s24+$0xFFFFFEB0]  }
0x4d: {  	v16 =	vmul.f32 v17, v16;
	v17 =	vmul.f32 v18, v19;
	_ =	sdelay $0x1  }
0x4e: {  	v16 =	vadd.f32 v17, v16;
	v17 =	vmul.f32 v20, v63;
	_ =	sdelay $0x1  }
0x4f: {  	v16 =	vadd.f32 v17, v16;
	v17 =	vmul.f32 v24, v25;
	_ =	sdelay $0x1  }
0x50: {  	v16 =	vadd.f32 v17, v16;
	_ =	sdelay $0x1  }
0x51: {  	[tilespmem:v2+s21+$0x0] =	vst.idx.msk $0xffff, v16  }
0x52: {  	v16 =	vld [tilespmem:s25+$0xFFFFFEC0]  }
0x53: {  	v17 =	vld [tilespmem:s24+$0xFFFFFEC0]  }
0x54: {  	v18 =	vld [tilespmem:s24+$0xFFFFFED0]  }
0x55: {  	v19 =	vld [tilespmem:s25+$0xFFFFFED0]  }
0x56: {  	v20 =	vld [tilespmem:s25+$0xFFFFFEE0]  }
0x57: {  	v26 =	vld [tilespmem:s24+$0xFFFFFEE0]  }
0x58: {  	v27 =	vld [tilespmem:s25+$0xFFFFFEF0]  }
0x59: {  	v28 =	vld [tilespmem:s24+$0xFFFFFEF0]  }
0x5a: {  	v16 =	vmul.f32 v16, v17;
	v17 =	vmul.f32 v19, v18;
	_ =	sdelay $0x1  }
0x5b: {  	v16 =	vadd.f32 v17, v16;
	v17 =	vmul.f32 v20, v26;
	_ =	sdelay $0x1  }
0x5c: {  	v16 =	vadd.f32 v17, v16;
	v17 =	vmul.f32 v27, v28;
	_ =	sdelay $0x1  }
0x5d: {  	v16 =	vadd.f32 v17, v16;
	_ =	sdelay $0x1  }
0x5e: {  	[tilespmem:v3+s21+$0x0] =	vst.idx.msk $0xffff, v16  }
0x5f: {  	v16 =	vld [tilespmem:s25+$0xFFFFFF10]  }
0x60: {  	v17 =	vld [tilespmem:s24+$0xFFFFFF00]  }
0x61: {  	v18 =	vld [tilespmem:s25+$0xFFFFFF00]  }
0x62: {  	v19 =	vld [tilespmem:s24+$0xFFFFFF10]  }
0x63: {  	v20 =	vld [tilespmem:s25+$0xFFFFFF20]  }
0x64: {  	v29 =	vld [tilespmem:s24+$0xFFFFFF20]  }
0x65: {  	v30 =	vld [tilespmem:s25+$0xFFFFFF30]  }
0x66: {  	v31 =	vld [tilespmem:s24+$0xFFFFFF30]  }
0x67: {  	v17 =	vmul.f32 v18, v17;
	v16 =	vmul.f32 v16, v19;
	_ =	sdelay $0x1  }
0x68: {  	v16 =	vadd.f32 v16, v17;
	v17 =	vmul.f32 v20, v29;
	_ =	sdelay $0x1  }
0x69: {  	v16 =	vadd.f32 v17, v16;
	v17 =	vmul.f32 v30, v31;
	_ =	sdelay $0x1  }
0x6a: {  	v16 =	vadd.f32 v17, v16;
	_ =	sdelay $0x1  }
0x6b: {  	[tilespmem:v4+s21+$0x0] =	vst.idx.msk $0xffff, v16  }
0x6c: {  	v16 =	vld [tilespmem:s25+$0xFFFFFF50]  }
0x6d: {  	v17 =	vld [tilespmem:s24+$0xFFFFFF40]  }
0x6e: {  	v18 =	vld [tilespmem:s25+$0xFFFFFF40]  }
0x6f: {  	v19 =	vld [tilespmem:s24+$0xFFFFFF50]  }
0x70: {  	v20 =	vld [tilespmem:s25+$0xFFFFFF60]  }
0x71: {  	v32 =	vld [tilespmem:s24+$0xFFFFFF60]  }
0x72: {  	v33 =	vld [tilespmem:s25+$0xFFFFFF70]  }
0x73: {  	v34 =	vld [tilespmem:s24+$0xFFFFFF70]  }
0x74: {  	v17 =	vmul.f32 v18, v17;
	v16 =	vmul.f32 v16, v19;
	_ =	sdelay $0x1  }
0x75: {  	v16 =	vadd.f32 v16, v17;
	v17 =	vmul.f32 v20, v32;
	_ =	sdelay $0x1  }
0x76: {  	v16 =	vadd.f32 v17, v16;
	v17 =	vmul.f32 v33, v34;
	_ =	sdelay $0x1  }
0x77: {  	v16 =	vadd.f32 v17, v16;
	_ =	sdelay $0x1  }
0x78: {  	[tilespmem:v5+s21+$0x0] =	vst.idx.msk $0xffff, v16  }
0x79: {  	v16 =	vld [tilespmem:s25+$0xFFFFFF80]  }
0x7a: {  	v17 =	vld [tilespmem:s25+$0xFFFFFF90]  }
0x7b: {  	v18 =	vld [tilespmem:s24+$0xFFFFFF90]  }
0x7c: {  	v19 =	vld [tilespmem:s24+$0xFFFFFF80]  }
0x7d: {  	v20 =	vld [tilespmem:s25+$0xFFFFFFA0]  }
0x7e: {  	v35 =	vld [tilespmem:s24+$0xFFFFFFA0]  }
0x7f: {  	v36 =	vld [tilespmem:s25+$0xFFFFFFB0]  }
0x80: {  	v37 =	vld [tilespmem:s24+$0xFFFFFFB0]  }
0x81: {  	v17 =	vmul.f32 v17, v18;
	v16 =	vmul.f32 v16, v19;
	_ =	sdelay $0x1  }
0x82: {  	v16 =	vadd.f32 v17, v16;
	v17 =	vmul.f32 v20, v35;
	_ =	sdelay $0x1  }
0x83: {  	v16 =	vadd.f32 v17, v16;
	v17 =	vmul.f32 v36, v37;
	_ =	sdelay $0x1  }
0x84: {  	v16 =	vadd.f32 v17, v16;
	_ =	sdelay $0x1  }
0x85: {  	[tilespmem:v6+s21+$0x0] =	vst.idx.msk $0xffff, v16  }
0x86: {  	v16 =	vld [tilespmem:s25+$0xFFFFFFD0]  }
0x87: {  	v17 =	vld [tilespmem:s25+$0xFFFFFFC0]  }
0x88: {  	v18 =	vld [tilespmem:s24+$0xFFFFFFC0]  }
0x89: {  	v19 =	vld [tilespmem:s24+$0xFFFFFFD0]  }
0x8a: {  	v20 =	vld [tilespmem:s25+$0xFFFFFFE0]  }
0x8b: {  	v38 =	vld [tilespmem:s24+$0xFFFFFFE0]  }
0x8c: {  	v39 =	vld [tilespmem:s25+$0xFFFFFFF0]  }
0x8d: {  	v40 =	vld [tilespmem:s24+$0xFFFFFFF0]  }
0x8e: {  	v17 =	vmul.f32 v17, v18;
	v16 =	vmul.f32 v16, v19;
	_ =	sdelay $0x1  }
0x8f: {  	v16 =	vadd.f32 v16, v17;
	v17 =	vmul.f32 v20, v38;
	_ =	sdelay $0x1  }
0x90: {  	v16 =	vadd.f32 v17, v16;
	v17 =	vmul.f32 v39, v40;
	_ =	sdelay $0x1  }
0x91: {  	v16 =	vadd.f32 v17, v16;
	_ =	sdelay $0x1  }
0x92: {  	[tilespmem:v7+s21+$0x0] =	vst.idx.msk $0xffff, v16  }
0x93: {  	v16 =	vld [tilespmem:s25+$0x0]  }
0x94: {  	v17 =	vld [tilespmem:s25+$0x10]  }
0x95: {  	v18 =	vld [tilespmem:s24+$0x0]  }
0x96: {  	v19 =	vld [tilespmem:s24+$0x10]  }
0x97: {  	v20 =	vld [tilespmem:s25+$0x20]  }
0x98: {  	v41 =	vld [tilespmem:s24+$0x20]  }
0x99: {  	v42 =	vld [tilespmem:s25+$0x30]  }
0x9a: {  	v43 =	vld [tilespmem:s24+$0x30]  }
0x9b: {  	v16 =	vmul.f32 v16, v18;
	v17 =	vmul.f32 v17, v19;
	_ =	sdelay $0x1  }
0x9c: {  	v16 =	vadd.f32 v17, v16;
	v17 =	vmul.f32 v20, v41;
	_ =	sdelay $0x1  }
0x9d: {  	v16 =	vadd.f32 v17, v16;
	v17 =	vmul.f32 v42, v43;
	_ =	sdelay $0x1  }
0x9e: {  	v16 =	vadd.f32 v17, v16;
	_ =	sdelay $0x1  }
0x9f: {  	[tilespmem:v8+s21+$0x0] =	vst.idx.msk $0xffff, v16  }
0xa0: {  	v16 =	vld [tilespmem:s25+$0x40]  }
0xa1: {  	v17 =	vld [tilespmem:s25+$0x50]  }
0xa2: {  	v18 =	vld [tilespmem:s24+$0x40]  }
0xa3: {  	v19 =	vld [tilespmem:s24+$0x50]  }
0xa4: {  	v20 =	vld [tilespmem:s24+$0x60]  }
0xa5: {  	v44 =	vld [tilespmem:s25+$0x60]  }
0xa6: {  	v45 =	vld [tilespmem:s24+$0x70]  }
0xa7: {  	v46 =	vld [tilespmem:s25+$0x70]  }
0xa8: {  	v16 =	vmul.f32 v16, v18;
	v17 =	vmul.f32 v17, v19;
	_ =	sdelay $0x1  }
0xa9: {  	v16 =	vadd.f32 v17, v16;
	v17 =	vmul.f32 v44, v20;
	_ =	sdelay $0x1  }
0xaa: {  	v16 =	vadd.f32 v17, v16;
	v17 =	vmul.f32 v46, v45;
	_ =	sdelay $0x1  }
0xab: {  	v16 =	vadd.f32 v17, v16;
	_ =	sdelay $0x1  }
0xac: {  	[tilespmem:v9+s21+$0x0] =	vst.idx.msk $0xffff, v16  }
0xad: {  	v16 =	vld [tilespmem:s25+$0x80]  }
0xae: {  	v17 =	vld [tilespmem:s25+$0x90]  }
0xaf: {  	v18 =	vld [tilespmem:s24+$0x80]  }
0xb0: {  	v19 =	vld [tilespmem:s24+$0x90]  }
0xb1: {  	v20 =	vld [tilespmem:s24+$0xA0]  }
0xb2: {  	v47 =	vld [tilespmem:s25+$0xA0]  }
0xb3: {  	v48 =	vld [tilespmem:s24+$0xB0]  }
0xb4: {  	v49 =	vld [tilespmem:s25+$0xB0]  }
0xb5: {  	v16 =	vmul.f32 v16, v18;
	v17 =	vmul.f32 v17, v19;
	_ =	sdelay $0x1  }
0xb6: {  	v16 =	vadd.f32 v17, v16;
	v17 =	vmul.f32 v47, v20;
	_ =	sdelay $0x1  }
0xb7: {  	v16 =	vadd.f32 v17, v16;
	v17 =	vmul.f32 v49, v48;
	_ =	sdelay $0x1  }
0xb8: {  	v16 =	vadd.f32 v17, v16;
	_ =	sdelay $0x1  }
0xb9: {  	[tilespmem:v10+s21+$0x0] =	vst.idx.msk $0xffff, v16  }
0xba: {  	v16 =	vld [tilespmem:s25+$0xC0]  }
0xbb: {  	v17 =	vld [tilespmem:s25+$0xD0]  }
0xbc: {  	v18 =	vld [tilespmem:s24+$0xC0]  }
0xbd: {  	v19 =	vld [tilespmem:s24+$0xD0]  }
0xbe: {  	v20 =	vld [tilespmem:s24+$0xE0]  }
0xbf: {  	v50 =	vld [tilespmem:s25+$0xE0]  }
0xc0: {  	v51 =	vld [tilespmem:s24+$0xF0]  }
0xc1: {  	v52 =	vld [tilespmem:s25+$0xF0]  }
0xc2: {  	v16 =	vmul.f32 v16, v18;
	v17 =	vmul.f32 v17, v19;
	_ =	sdelay $0x1  }
0xc3: {  	v16 =	vadd.f32 v17, v16;
	v17 =	vmul.f32 v50, v20;
	_ =	sdelay $0x1  }
0xc4: {  	v16 =	vadd.f32 v17, v16;
	v17 =	vmul.f32 v52, v51;
	_ =	sdelay $0x1  }
0xc5: {  	v16 =	vadd.f32 v17, v16;
	_ =	sdelay $0x1  }
0xc6: {  	[tilespmem:v11+s21+$0x0] =	vst.idx.msk $0xffff, v16  }
0xc7: {  	v16 =	vld [tilespmem:s25+$0x100]  }
0xc8: {  	v17 =	vld [tilespmem:s25+$0x110]  }
0xc9: {  	v18 =	vld [tilespmem:s24+$0x100]  }
0xca: {  	v19 =	vld [tilespmem:s24+$0x110]  }
0xcb: {  	v20 =	vld [tilespmem:s24+$0x120]  }
0xcc: {  	v53 =	vld [tilespmem:s25+$0x120]  }
0xcd: {  	v54 =	vld [tilespmem:s24+$0x130]  }
0xce: {  	v55 =	vld [tilespmem:s25+$0x130]  }
0xcf: {  	v16 =	vmul.f32 v16, v18;
	v17 =	vmul.f32 v17, v19;
	_ =	sdelay $0x1  }
0xd0: {  	v16 =	vadd.f32 v17, v16;
	v17 =	vmul.f32 v53, v20;
	_ =	sdelay $0x1  }
0xd1: {  	v16 =	vadd.f32 v17, v16;
	v17 =	vmul.f32 v55, v54;
	_ =	sdelay $0x1  }
0xd2: {  	v16 =	vadd.f32 v17, v16;
	_ =	sdelay $0x1  }
0xd3: {  	[tilespmem:v12+s21+$0x0] =	vst.idx.msk $0xffff, v16  }
0xd4: {  	v16 =	vld [tilespmem:s25+$0x140]  }
0xd5: {  	v17 =	vld [tilespmem:s25+$0x150]  }
0xd6: {  	v18 =	vld [tilespmem:s24+$0x140]  }
0xd7: {  	v19 =	vld [tilespmem:s24+$0x150]  }
0xd8: {  	v20 =	vld [tilespmem:s24+$0x160]  }
0xd9: {  	v56 =	vld [tilespmem:s25+$0x160]  }
0xda: {  	v57 =	vld [tilespmem:s24+$0x170]  }
0xdb: {  	v58 =	vld [tilespmem:s25+$0x170]  }
0xdc: {  	v16 =	vmul.f32 v16, v18;
	v17 =	vmul.f32 v17, v19;
	_ =	sdelay $0x1  }
0xdd: {  	v16 =	vadd.f32 v17, v16;
	v17 =	vmul.f32 v56, v20;
	_ =	sdelay $0x1  }
0xde: {  	v16 =	vadd.f32 v17, v16;
	v17 =	vmul.f32 v58, v57;
	_ =	sdelay $0x1  }
0xdf: {  	v16 =	vadd.f32 v17, v16;
	_ =	sdelay $0x1  }
0xe0: {  	[tilespmem:v13+s21+$0x0] =	vst.idx.msk $0xffff, v16  }
0xe1: {  	v16 =	vld [tilespmem:s25+$0x180]  }
0xe2: {  	v17 =	vld [tilespmem:s25+$0x190]  }
0xe3: {  	v18 =	vld [tilespmem:s24+$0x190]  }
0xe4: {  	v19 =	vld [tilespmem:s24+$0x180]  }
0xe5: {  	v20 =	vld [tilespmem:s24+$0x1A0]  }
0xe6: {  	v59 =	vld [tilespmem:s25+$0x1A0]  }
0xe7: {  	v60 =	vld [tilespmem:s24+$0x1B0]  }
0xe8: {  	v61 =	vld [tilespmem:s25+$0x1B0]  }
0xe9: {  	v17 =	vmul.f32 v17, v18;
	v16 =	vmul.f32 v16, v19;
	_ =	sdelay $0x1  }
0xea: {  	v16 =	vadd.f32 v17, v16;
	v17 =	vmul.f32 v59, v20;
	_ =	sdelay $0x1  }
0xeb: {  	v16 =	vadd.f32 v17, v16;
	v17 =	vmul.f32 v61, v60;
	_ =	sdelay $0x1  }
0xec: {  	v16 =	vadd.f32 v17, v16;
	_ =	sdelay $0x1  }
0xed: {  	[tilespmem:v14+s21+$0x0] =	vst.idx.msk $0xffff, v16  }
0xee: {  	v16 =	vld [tilespmem:s24+$0x1C0]  }
0xef: {  	v17 =	vld [tilespmem:s25+$0x1C0]  }
0xf0: {  	v18 =	vld [tilespmem:s25+$0x1D0]  }
0xf1: {  	v19 =	vld [tilespmem:s24+$0x1D0]  }
0xf2: {  	v20 =	vld [tilespmem:s24+$0x1E0]  }
0xf3: {  	v62 =	vld [tilespmem:s25+$0x1E0]  }
0xf4: {  	v63 =	vmul.f32 v17, v16;
	v16 =	vld [tilespmem:s24+$0x1F0]  }
0xf5: {  	v17 =	vld [tilespmem:s25+$0x1F0]  }
0xf6: {  	v18 =	vmul.f32 v18, v19;
	_ =	sdelay $0x1  }
0xf7: {  	s28 =	simm.s32 $0x40;
	s26 =	simm.s32 $0x0;
	v19 =	vmul.f32 v62, v20;
	v18 =	vadd.f32 v18, v63  }
.LBB2_2:
0xf8: {  	p0 =	sne.s32 s28, $0x7C0;
	s24 =	sadd.s32 $0x400, s24;
	s25 =	sadd.s32 $0x400, s25  }
0xf9: {  	s29 =	smov.u32 s28;
	s28 =	sadd.s32 $0x40, s28;
	v18 =	vadd.f32 v19, v18;
	v16 =	vmul.f32 v17, v16;
	_ =	sdelay $0x1  }
0xfa: {  	v16 =	vadd.f32 v16, v18;
	_ =	sdelay $0x1  }
0xfb: {  	[tilespmem:v15+s21+$0x0] =	vst.idx.msk $0xffff, v16  }
0xfc: {  	v16 =	vld [tilespmem:$0x10A00]  }
0xfd: {  	v17 =	vld [tilespmem:$0x10A10]  }
0xfe: {  	v18 =	vld [tilespmem:$0x10A20]  }
0xff: {  	v19 =	vld [tilespmem:$0x10A30]  }
0x100: {  	v20 =	vld [tilespmem:$0x10A40]  }
0x101: {  	v21 =	vld [tilespmem:$0x10A50]  }
0x102: {  	v16 =	vadd.f32 v17, v16;
	v17 =	vld [tilespmem:$0x10A60]  }
0x103: {  	v22 =	vld [tilespmem:$0x10A70]  }
0x104: {  	v16 =	vadd.f32 v18, v16;
	v18 =	vld [tilespmem:$0x10A80]  }
0x105: {  	v23 =	vld [tilespmem:$0x10A90]  }
0x106: {  	v16 =	vadd.f32 v19, v16;
	v19 =	vld [tilespmem:$0x10AA0]  }
0x107: {  	v24 =	vld [tilespmem:$0x10AB0]  }
0x108: {  	v16 =	vadd.f32 v20, v16;
	v20 =	vld [tilespmem:$0x10AC0]  }
0x109: {  	v25 =	vld [tilespmem:$0x10AD0]  }
0x10a: {  	v16 =	vadd.f32 v21, v16;
	v21 =	vld [tilespmem:$0x10AE0]  }
0x10b: {  	s30 =	sshra.s32 s26, $0x2;
	s26 =	smov.u32 s29;
	v26 =	vld [tilespmem:$0x10AF0]  }
0x10c: {  	v16 =	vadd.f32 v17, v16;
	v17 =	vld [tilespmem:s30+$0x10400]  }
0x10d: {  	v27 =	vld [tilespmem:s30+$0x10600]  }
0x10e: {  	v16 =	vadd.f32 v22, v16;
	_ =	sdelay $0x1  }
0x10f: {  	v16 =	vadd.f32 v18, v16;
	_ =	sdelay $0x1  }
0x110: {  	v16 =	vadd.f32 v23, v16;
	_ =	sdelay $0x1  }
0x111: {  	v16 =	vadd.f32 v19, v16;
	_ =	sdelay $0x1  }
0x112: {  	v16 =	vadd.f32 v24, v16;
	_ =	sdelay $0x1  }
0x113: {  	v16 =	vadd.f32 v20, v16;
	_ =	sdelay $0x1  }
0x114: {  	v16 =	vadd.f32 v25, v16;
	_ =	sdelay $0x1  }
0x115: {  	v16 =	vadd.f32 v21, v16;
	_ =	sdelay $0x1  }
0x116: {  	v16 =	vadd.f32 v26, v16;
	_ =	sdelay $0x1  }
0x117: {  	v16 =	vadd.f32 v17, v16;
	_ =	sdelay $0x1  }
0x118: {  	v16 =	vadd.f32 v27, v16;
	_ =	sdelay $0x1  }
0x119: {  	[tilespmem:s30+$0x10800] =	vst v16  }
0x11a: {  	v16 =	vld [tilespmem:s24+$0xFFFFFE00]  }
0x11b: {  	v17 =	vld [tilespmem:s25+$0xFFFFFE10]  }
0x11c: {  	v18 =	vld [tilespmem:s24+$0xFFFFFE10]  }
0x11d: {  	v19 =	vld [tilespmem:s25+$0xFFFFFE00]  }
0x11e: {  	v20 =	vld [tilespmem:s25+$0xFFFFFE20]  }
0x11f: {  	v21 =	vld [tilespmem:s24+$0xFFFFFE20]  }
0x120: {  	v22 =	vld [tilespmem:s25+$0xFFFFFE30]  }
0x121: {  	v17 =	vmul.f32 v17, v18;
	v18 =	vld [tilespmem:s24+$0xFFFFFE30]  }
0x122: {  	v16 =	vmul.f32 v19, v16;
	_ =	sdelay $0x1  }
0x123: {  	v16 =	vadd.f32 v17, v16;
	v17 =	vmul.f32 v20, v21;
	_ =	sdelay $0x1  }
0x124: {  	v16 =	vadd.f32 v17, v16;
	v17 =	vmul.f32 v22, v18;
	_ =	sdelay $0x1  }
0x125: {  	v16 =	vadd.f32 v17, v16;
	_ =	sdelay $0x1  }
0x126: {  	[tilespmem:v0+s21+$0x0] =	vst.idx.msk $0xffff, v16  }
0x127: {  	v16 =	vld [tilespmem:s25+$0xFFFFFE50]  }
0x128: {  	v17 =	vld [tilespmem:s24+$0xFFFFFE40]  }
0x129: {  	v18 =	vld [tilespmem:s24+$0xFFFFFE50]  }
0x12a: {  	v19 =	vld [tilespmem:s25+$0xFFFFFE40]  }
0x12b: {  	v20 =	vld [tilespmem:s25+$0xFFFFFE60]  }
0x12c: {  	v21 =	vld [tilespmem:s24+$0xFFFFFE60]  }
0x12d: {  	v22 =	vld [tilespmem:s25+$0xFFFFFE70]  }
0x12e: {  	v16 =	vmul.f32 v16, v18;
	v18 =	vld [tilespmem:s24+$0xFFFFFE70]  }
0x12f: {  	v17 =	vmul.f32 v19, v17;
	_ =	sdelay $0x1  }
0x130: {  	v16 =	vadd.f32 v16, v17;
	v17 =	vmul.f32 v20, v21;
	_ =	sdelay $0x1  }
0x131: {  	v16 =	vadd.f32 v17, v16;
	v17 =	vmul.f32 v22, v18;
	_ =	sdelay $0x1  }
0x132: {  	v16 =	vadd.f32 v17, v16;
	_ =	sdelay $0x1  }
0x133: {  	[tilespmem:v1+s21+$0x0] =	vst.idx.msk $0xffff, v16  }
0x134: {  	v16 =	vld [tilespmem:s24+$0xFFFFFE80]  }
0x135: {  	v17 =	vld [tilespmem:s25+$0xFFFFFE80]  }
0x136: {  	v18 =	vld [tilespmem:s25+$0xFFFFFE90]  }
0x137: {  	v19 =	vld [tilespmem:s24+$0xFFFFFE90]  }
0x138: {  	v20 =	vld [tilespmem:s25+$0xFFFFFEA0]  }
0x139: {  	v21 =	vld [tilespmem:s24+$0xFFFFFEA0]  }
0x13a: {  	v16 =	vmul.f32 v17, v16;
	v17 =	vld [tilespmem:s25+$0xFFFFFEB0]  }
0x13b: {  	v22 =	vld [tilespmem:s24+$0xFFFFFEB0]  }
0x13c: {  	v18 =	vmul.f32 v18, v19;
	_ =	sdelay $0x1  }
0x13d: {  	v16 =	vadd.f32 v18, v16;
	v18 =	vmul.f32 v20, v21;
	_ =	sdelay $0x1  }
0x13e: {  	v16 =	vadd.f32 v18, v16;
	v17 =	vmul.f32 v17, v22;
	_ =	sdelay $0x1  }
0x13f: {  	v16 =	vadd.f32 v17, v16;
	_ =	sdelay $0x1  }
0x140: {  	[tilespmem:v2+s21+$0x0] =	vst.idx.msk $0xffff, v16  }
0x141: {  	v16 =	vld [tilespmem:s25+$0xFFFFFEC0]  }
0x142: {  	v17 =	vld [tilespmem:s24+$0xFFFFFEC0]  }
0x143: {  	v18 =	vld [tilespmem:s24+$0xFFFFFED0]  }
0x144: {  	v19 =	vld [tilespmem:s25+$0xFFFFFED0]  }
0x145: {  	v20 =	vld [tilespmem:s25+$0xFFFFFEE0]  }
0x146: {  	v21 =	vld [tilespmem:s24+$0xFFFFFEE0]  }
0x147: {  	v16 =	vmul.f32 v16, v17;
	v17 =	vld [tilespmem:s25+$0xFFFFFEF0]  }
0x148: {  	v22 =	vld [tilespmem:s24+$0xFFFFFEF0]  }
0x149: {  	v18 =	vmul.f32 v19, v18;
	_ =	sdelay $0x1  }
0x14a: {  	v16 =	vadd.f32 v18, v16;
	v18 =	vmul.f32 v20, v21;
	_ =	sdelay $0x1  }
0x14b: {  	v16 =	vadd.f32 v18, v16;
	v17 =	vmul.f32 v17, v22;
	_ =	sdelay $0x1  }
0x14c: {  	v16 =	vadd.f32 v17, v16;
	_ =	sdelay $0x1  }
0x14d: {  	[tilespmem:v3+s21+$0x0] =	vst.idx.msk $0xffff, v16  }
0x14e: {  	v16 =	vld [tilespmem:s25+$0xFFFFFF10]  }
0x14f: {  	v17 =	vld [tilespmem:s24+$0xFFFFFF00]  }
0x150: {  	v18 =	vld [tilespmem:s25+$0xFFFFFF00]  }
0x151: {  	v19 =	vld [tilespmem:s24+$0xFFFFFF10]  }
0x152: {  	v20 =	vld [tilespmem:s25+$0xFFFFFF20]  }
0x153: {  	v21 =	vld [tilespmem:s24+$0xFFFFFF20]  }
0x154: {  	v22 =	vld [tilespmem:s25+$0xFFFFFF30]  }
0x155: {  	v17 =	vmul.f32 v18, v17;
	v18 =	vld [tilespmem:s24+$0xFFFFFF30]  }
0x156: {  	v16 =	vmul.f32 v16, v19;
	_ =	sdelay $0x1  }
0x157: {  	v16 =	vadd.f32 v16, v17;
	v17 =	vmul.f32 v20, v21;
	_ =	sdelay $0x1  }
0x158: {  	v16 =	vadd.f32 v17, v16;
	v17 =	vmul.f32 v22, v18;
	_ =	sdelay $0x1  }
0x159: {  	v16 =	vadd.f32 v17, v16;
	_ =	sdelay $0x1  }
0x15a: {  	[tilespmem:v4+s21+$0x0] =	vst.idx.msk $0xffff, v16  }
0x15b: {  	v16 =	vld [tilespmem:s25+$0xFFFFFF50]  }
0x15c: {  	v17 =	vld [tilespmem:s24+$0xFFFFFF40]  }
0x15d: {  	v18 =	vld [tilespmem:s25+$0xFFFFFF40]  }
0x15e: {  	v19 =	vld [tilespmem:s24+$0xFFFFFF50]  }
0x15f: {  	v20 =	vld [tilespmem:s25+$0xFFFFFF60]  }
0x160: {  	v21 =	vld [tilespmem:s24+$0xFFFFFF60]  }
0x161: {  	v22 =	vld [tilespmem:s25+$0xFFFFFF70]  }
0x162: {  	v17 =	vmul.f32 v18, v17;
	v18 =	vld [tilespmem:s24+$0xFFFFFF70]  }
0x163: {  	v16 =	vmul.f32 v16, v19;
	_ =	sdelay $0x1  }
0x164: {  	v16 =	vadd.f32 v16, v17;
	v17 =	vmul.f32 v20, v21;
	_ =	sdelay $0x1  }
0x165: {  	v16 =	vadd.f32 v17, v16;
	v17 =	vmul.f32 v22, v18;
	_ =	sdelay $0x1  }
0x166: {  	v16 =	vadd.f32 v17, v16;
	_ =	sdelay $0x1  }
0x167: {  	[tilespmem:v5+s21+$0x0] =	vst.idx.msk $0xffff, v16  }
0x168: {  	v16 =	vld [tilespmem:s25+$0xFFFFFF80]  }
0x169: {  	v17 =	vld [tilespmem:s25+$0xFFFFFF90]  }
0x16a: {  	v18 =	vld [tilespmem:s24+$0xFFFFFF90]  }
0x16b: {  	v19 =	vld [tilespmem:s24+$0xFFFFFF80]  }
0x16c: {  	v20 =	vld [tilespmem:s25+$0xFFFFFFA0]  }
0x16d: {  	v21 =	vld [tilespmem:s24+$0xFFFFFFA0]  }
0x16e: {  	v22 =	vld [tilespmem:s25+$0xFFFFFFB0]  }
0x16f: {  	v17 =	vmul.f32 v17, v18;
	v18 =	vld [tilespmem:s24+$0xFFFFFFB0]  }
0x170: {  	v16 =	vmul.f32 v16, v19;
	_ =	sdelay $0x1  }
0x171: {  	v16 =	vadd.f32 v17, v16;
	v17 =	vmul.f32 v20, v21;
	_ =	sdelay $0x1  }
0x172: {  	v16 =	vadd.f32 v17, v16;
	v17 =	vmul.f32 v22, v18;
	_ =	sdelay $0x1  }
0x173: {  	v16 =	vadd.f32 v17, v16;
	_ =	sdelay $0x1  }
0x174: {  	[tilespmem:v6+s21+$0x0] =	vst.idx.msk $0xffff, v16  }
0x175: {  	v16 =	vld [tilespmem:s25+$0xFFFFFFD0]  }
0x176: {  	v17 =	vld [tilespmem:s25+$0xFFFFFFC0]  }
0x177: {  	v18 =	vld [tilespmem:s24+$0xFFFFFFC0]  }
0x178: {  	v19 =	vld [tilespmem:s24+$0xFFFFFFD0]  }
0x179: {  	v20 =	vld [tilespmem:s25+$0xFFFFFFE0]  }
0x17a: {  	v21 =	vld [tilespmem:s24+$0xFFFFFFE0]  }
0x17b: {  	v22 =	vld [tilespmem:s25+$0xFFFFFFF0]  }
0x17c: {  	v17 =	vmul.f32 v17, v18;
	v18 =	vld [tilespmem:s24+$0xFFFFFFF0]  }
0x17d: {  	v16 =	vmul.f32 v16, v19;
	_ =	sdelay $0x1  }
0x17e: {  	v16 =	vadd.f32 v16, v17;
	v17 =	vmul.f32 v20, v21;
	_ =	sdelay $0x1  }
0x17f: {  	v16 =	vadd.f32 v17, v16;
	v17 =	vmul.f32 v22, v18;
	_ =	sdelay $0x1  }
0x180: {  	v16 =	vadd.f32 v17, v16;
	_ =	sdelay $0x1  }
0x181: {  	[tilespmem:v7+s21+$0x0] =	vst.idx.msk $0xffff, v16  }
0x182: {  	v16 =	vld [tilespmem:s25+$0x0]  }
0x183: {  	v17 =	vld [tilespmem:s25+$0x10]  }
0x184: {  	v18 =	vld [tilespmem:s24+$0x0]  }
0x185: {  	v19 =	vld [tilespmem:s24+$0x10]  }
0x186: {  	v20 =	vld [tilespmem:s25+$0x20]  }
0x187: {  	v21 =	vld [tilespmem:s24+$0x20]  }
0x188: {  	v22 =	vld [tilespmem:s25+$0x30]  }
0x189: {  	v16 =	vmul.f32 v16, v18;
	v18 =	vld [tilespmem:s24+$0x30]  }
0x18a: {  	v17 =	vmul.f32 v17, v19;
	_ =	sdelay $0x1  }
0x18b: {  	v16 =	vadd.f32 v17, v16;
	v17 =	vmul.f32 v20, v21;
	_ =	sdelay $0x1  }
0x18c: {  	v16 =	vadd.f32 v17, v16;
	v17 =	vmul.f32 v22, v18;
	_ =	sdelay $0x1  }
0x18d: {  	v16 =	vadd.f32 v17, v16;
	_ =	sdelay $0x1  }
0x18e: {  	[tilespmem:v8+s21+$0x0] =	vst.idx.msk $0xffff, v16  }
0x18f: {  	v16 =	vld [tilespmem:s25+$0x40]  }
0x190: {  	v17 =	vld [tilespmem:s25+$0x50]  }
0x191: {  	v18 =	vld [tilespmem:s24+$0x40]  }
0x192: {  	v19 =	vld [tilespmem:s24+$0x50]  }
0x193: {  	v20 =	vld [tilespmem:s24+$0x60]  }
0x194: {  	v21 =	vld [tilespmem:s25+$0x60]  }
0x195: {  	v22 =	vld [tilespmem:s24+$0x70]  }
0x196: {  	v16 =	vmul.f32 v16, v18;
	v18 =	vld [tilespmem:s25+$0x70]  }
0x197: {  	v17 =	vmul.f32 v17, v19;
	_ =	sdelay $0x1  }
0x198: {  	v16 =	vadd.f32 v17, v16;
	v17 =	vmul.f32 v21, v20;
	_ =	sdelay $0x1  }
0x199: {  	v16 =	vadd.f32 v17, v16;
	v17 =	vmul.f32 v18, v22;
	_ =	sdelay $0x1  }
0x19a: {  	v16 =	vadd.f32 v17, v16;
	_ =	sdelay $0x1  }
0x19b: {  	[tilespmem:v9+s21+$0x0] =	vst.idx.msk $0xffff, v16  }
0x19c: {  	v16 =	vld [tilespmem:s25+$0x80]  }
0x19d: {  	v17 =	vld [tilespmem:s25+$0x90]  }
0x19e: {  	v18 =	vld [tilespmem:s24+$0x80]  }
0x19f: {  	v19 =	vld [tilespmem:s24+$0x90]  }
0x1a0: {  	v20 =	vld [tilespmem:s24+$0xA0]  }
0x1a1: {  	v21 =	vld [tilespmem:s25+$0xA0]  }
0x1a2: {  	v22 =	vld [tilespmem:s24+$0xB0]  }
0x1a3: {  	v16 =	vmul.f32 v16, v18;
	v18 =	vld [tilespmem:s25+$0xB0]  }
0x1a4: {  	v17 =	vmul.f32 v17, v19;
	_ =	sdelay $0x1  }
0x1a5: {  	v16 =	vadd.f32 v17, v16;
	v17 =	vmul.f32 v21, v20;
	_ =	sdelay $0x1  }
0x1a6: {  	v16 =	vadd.f32 v17, v16;
	v17 =	vmul.f32 v18, v22;
	_ =	sdelay $0x1  }
0x1a7: {  	v16 =	vadd.f32 v17, v16;
	_ =	sdelay $0x1  }
0x1a8: {  	[tilespmem:v10+s21+$0x0] =	vst.idx.msk $0xffff, v16  }
0x1a9: {  	v16 =	vld [tilespmem:s25+$0xC0]  }
0x1aa: {  	v17 =	vld [tilespmem:s25+$0xD0]  }
0x1ab: {  	v18 =	vld [tilespmem:s24+$0xC0]  }
0x1ac: {  	v19 =	vld [tilespmem:s24+$0xD0]  }
0x1ad: {  	v20 =	vld [tilespmem:s24+$0xE0]  }
0x1ae: {  	v21 =	vld [tilespmem:s25+$0xE0]  }
0x1af: {  	v22 =	vld [tilespmem:s24+$0xF0]  }
0x1b0: {  	v16 =	vmul.f32 v16, v18;
	v18 =	vld [tilespmem:s25+$0xF0]  }
0x1b1: {  	v17 =	vmul.f32 v17, v19;
	_ =	sdelay $0x1  }
0x1b2: {  	v16 =	vadd.f32 v17, v16;
	v17 =	vmul.f32 v21, v20;
	_ =	sdelay $0x1  }
0x1b3: {  	v16 =	vadd.f32 v17, v16;
	v17 =	vmul.f32 v18, v22;
	_ =	sdelay $0x1  }
0x1b4: {  	v16 =	vadd.f32 v17, v16;
	_ =	sdelay $0x1  }
0x1b5: {  	[tilespmem:v11+s21+$0x0] =	vst.idx.msk $0xffff, v16  }
0x1b6: {  	v16 =	vld [tilespmem:s25+$0x100]  }
0x1b7: {  	v17 =	vld [tilespmem:s25+$0x110]  }
0x1b8: {  	v18 =	vld [tilespmem:s24+$0x100]  }
0x1b9: {  	v19 =	vld [tilespmem:s24+$0x110]  }
0x1ba: {  	v20 =	vld [tilespmem:s24+$0x120]  }
0x1bb: {  	v21 =	vld [tilespmem:s25+$0x120]  }
0x1bc: {  	v22 =	vld [tilespmem:s24+$0x130]  }
0x1bd: {  	v16 =	vmul.f32 v16, v18;
	v18 =	vld [tilespmem:s25+$0x130]  }
0x1be: {  	v17 =	vmul.f32 v17, v19;
	_ =	sdelay $0x1  }
0x1bf: {  	v16 =	vadd.f32 v17, v16;
	v17 =	vmul.f32 v21, v20;
	_ =	sdelay $0x1  }
0x1c0: {  	v16 =	vadd.f32 v17, v16;
	v17 =	vmul.f32 v18, v22;
	_ =	sdelay $0x1  }
0x1c1: {  	v16 =	vadd.f32 v17, v16;
	_ =	sdelay $0x1  }
0x1c2: {  	[tilespmem:v12+s21+$0x0] =	vst.idx.msk $0xffff, v16  }
0x1c3: {  	v16 =	vld [tilespmem:s25+$0x140]  }
0x1c4: {  	v17 =	vld [tilespmem:s25+$0x150]  }
0x1c5: {  	v18 =	vld [tilespmem:s24+$0x140]  }
0x1c6: {  	v19 =	vld [tilespmem:s24+$0x150]  }
0x1c7: {  	v20 =	vld [tilespmem:s24+$0x160]  }
0x1c8: {  	v21 =	vld [tilespmem:s25+$0x160]  }
0x1c9: {  	v22 =	vld [tilespmem:s24+$0x170]  }
0x1ca: {  	v16 =	vmul.f32 v16, v18;
	v18 =	vld [tilespmem:s25+$0x170]  }
0x1cb: {  	v17 =	vmul.f32 v17, v19;
	_ =	sdelay $0x1  }
0x1cc: {  	v16 =	vadd.f32 v17, v16;
	v17 =	vmul.f32 v21, v20;
	_ =	sdelay $0x1  }
0x1cd: {  	v16 =	vadd.f32 v17, v16;
	v17 =	vmul.f32 v18, v22;
	_ =	sdelay $0x1  }
0x1ce: {  	v16 =	vadd.f32 v17, v16;
	_ =	sdelay $0x1  }
0x1cf: {  	[tilespmem:v13+s21+$0x0] =	vst.idx.msk $0xffff, v16  }
0x1d0: {  	v16 =	vld [tilespmem:s25+$0x180]  }
0x1d1: {  	v17 =	vld [tilespmem:s25+$0x190]  }
0x1d2: {  	v18 =	vld [tilespmem:s24+$0x190]  }
0x1d3: {  	v19 =	vld [tilespmem:s24+$0x180]  }
0x1d4: {  	v20 =	vld [tilespmem:s24+$0x1A0]  }
0x1d5: {  	v21 =	vld [tilespmem:s25+$0x1A0]  }
0x1d6: {  	v22 =	vld [tilespmem:s24+$0x1B0]  }
0x1d7: {  	v17 =	vmul.f32 v17, v18;
	v18 =	vld [tilespmem:s25+$0x1B0]  }
0x1d8: {  	v16 =	vmul.f32 v16, v19;
	_ =	sdelay $0x1  }
0x1d9: {  	v16 =	vadd.f32 v17, v16;
	v17 =	vmul.f32 v21, v20;
	_ =	sdelay $0x1  }
0x1da: {  	v16 =	vadd.f32 v17, v16;
	v17 =	vmul.f32 v18, v22;
	_ =	sdelay $0x1  }
0x1db: {  	v16 =	vadd.f32 v17, v16;
	_ =	sdelay $0x1  }
0x1dc: {  	[tilespmem:v14+s21+$0x0] =	vst.idx.msk $0xffff, v16  }
0x1dd: {  	v16 =	vld [tilespmem:s24+$0x1C0]  }
0x1de: {  	v17 =	vld [tilespmem:s25+$0x1C0]  }
0x1df: {  	v18 =	vld [tilespmem:s25+$0x1D0]  }
0x1e0: {  	v19 =	vld [tilespmem:s24+$0x1D0]  }
0x1e1: {  	v20 =	vld [tilespmem:s24+$0x1E0]  }
0x1e2: {  	v21 =	vld [tilespmem:s25+$0x1E0]  }
.Ltmp0:
0x1e3: {  	v22 =	vmul.f32 v17, v16;
	v16 =	vld [tilespmem:s24+$0x1F0];
	(pc) =	sbr.rel @p0 .LBB2_2-.Ltmp0, $3  }
0x1e4: {  	v17 =	vld [tilespmem:s25+$0x1F0]  }
0x1e5: {  	v18 =	vmul.f32 v18, v19;
	_ =	sdelay $0x1  }
0x1e6: {  	v18 =	vadd.f32 v18, v22;
	v19 =	vmul.f32 v21, v20  }
0x1e7: {  	_ = 	snop  }
0x1e8: {  	v18 =	vadd.f32 v19, v18;
	v16 =	vmul.f32 v17, v16;
	_ =	sdelay $0x1  }
0x1e9: {  	v16 =	vadd.f32 v16, v18;
	_ =	sdelay $0x1  }
0x1ea: {  	[tilespmem:v15+s21+$0x0] =	vst.idx.msk $0xffff, v16  }
0x1eb: {  	v16 =	vld [tilespmem:$0x10A00]  }
0x1ec: {  	v17 =	vld [tilespmem:$0x10A10];
	_ =	sdelay $0x1  }
0x1ed: {  	v53 =	vld [tilespmem:$0x10A20];
	_ =	sdelay $0x1  }
0x1ee: {  	v54 =	vld [tilespmem:$0x10A30]  }
0x1ef: {  	v16 =	vadd.f32 v17, v16  }
0x1f0: {  	v17 =	vld [tilespmem:$0x10A40]  }
0x1f1: {  	v16 =	vadd.f32 v53, v16  }
0x1f2: {  	v55 =	vld [tilespmem:$0x10A50]  }
0x1f3: {  	v16 =	vadd.f32 v54, v16  }
0x1f4: {  	v56 =	vld [tilespmem:$0x10A60]  }
0x1f5: {  	v16 =	vadd.f32 v17, v16  }
0x1f6: {  	v17 =	vld [tilespmem:$0x10A70]  }
0x1f7: {  	v16 =	vadd.f32 v55, v16  }
0x1f8: {  	v57 =	vld [tilespmem:$0x10A80]  }
0x1f9: {  	v16 =	vadd.f32 v56, v16  }
0x1fa: {  	v58 =	vld [tilespmem:$0x10A90]  }
0x1fb: {  	v16 =	vadd.f32 v17, v16  }
0x1fc: {  	v17 =	vld [tilespmem:$0x10AA0]  }
0x1fd: {  	v16 =	vadd.f32 v57, v16  }
0x1fe: {  	v59 =	vld [tilespmem:$0x10AB0]  }
0x1ff: {  	v16 =	vadd.f32 v58, v16  }
0x200: {  	v60 =	vld [tilespmem:$0x10AC0]  }
0x201: {  	v16 =	vadd.f32 v17, v16  }
0x202: {  	v17 =	vld [tilespmem:$0x10AD0]  }
0x203: {  	v16 =	vadd.f32 v59, v16  }
0x204: {  	v61 =	vld [tilespmem:$0x10AE0]  }
0x205: {  	v16 =	vadd.f32 v60, v16  }
0x206: {  	v62 =	vld [tilespmem:$0x10AF0]  }
0x207: {  	s24 =	sshra.s32 s26, $0x2;
	v16 =	vadd.f32 v17, v16  }
0x208: {  	v17 =	vld [tilespmem:s24+$0x10400]  }
0x209: {  	v16 =	vadd.f32 v61, v16  }
0x20a: {  	v63 =	vld [tilespmem:s24+$0x10600]  }
0x20b: {  	v16 =	vadd.f32 v62, v16;
	_ =	sdelay $0x1  }
0x20c: {  	v16 =	vadd.f32 v17, v16;
	_ =	sdelay $0x1  }
0x20d: {  	s23 =	sadd.s32 $0x1, s23;
	v16 =	vadd.f32 v63, v16  }
0x20e: {  	p0 =	sne.s32 s23, s10  }
.Ltmp1:
0x20f: {  	[tilespmem:s24+$0x10800] =	vst v16;
	(pc) =	sbr.rel @p0 .LBB2_1-.Ltmp1, $4  }
0x210: {  	[hbm4b:s9+s2] =	stream.linear.scatter [tilespmem:s22], [sflag:$0x5], $0x200, $0x38;
	[tilespmem:$0x10B00] =	vst v63  }
0x211: {  	_ =	swait.ge [sflag:s11], $0x200  }
0x212: {  	[sflag:s11] =	ssyncset.done $0x0  }
0x213: {  	[sflag:s11] =	ssyncadd.s32 $0xFFFFFE00  }
0x214: {  	_ =	sfence.sel $0x180000  }
0x215: {  	[bflag:$0x0] =	sbarrier.arrive $0xFFFF  }
0x216: {  	p0 =	sne.s32 s3, $0x0;
	_ =	strace $0x90000047  }
0x217: {  	s0 =	sadd.s32 @!p0 $0x100000, s0;
	[bflag:$0x2] =	sbarrier.arrive $0xFFFF  }
0x218: {  	[sflag:s0] =	ssyncadd.tile.s32 @!p0 $0x1;
	_ =	shalt  }
.Lfunc_end2:
_tile_overlayer_lowered:
.L_overlay_start_2:
0x219: {  	(tag) =	ssettag $0x2  }
0x21a: {  	s0 =	rddreg [dreg:$0x0];
	s2 =	stileid.u32  }
0x21b: {  	s1 =	rddreg [dreg:$0x1];
	p0 =	sne.s32 s2, $0x0  }
0x21c: {  	s3 =	rddreg [dreg:$0x2];
	[bflag:$0x3] =	sbarrier.arrive $0xFFFF;
	s2 =	simm.s32 @!p0 $0x1C05  }
0x21d: {  	[timem:s3], [sflag:s2] =	dma.local @!p0 [hbm:s0], s1  }
0x21e: {  	s0 =	simm.s32 @!p0 $0x5  }
0x21f: {  	_ =	swait.ge @!p0 [sflag:s0], s1  }
0x220: {  	s1 =	ssub.s32 @!p0 $0x0, s1;
	[sflag:s0] =	ssyncset.done @!p0 $0x0  }
0x221: {  	[sflag:s0] =	ssyncadd.s32 @!p0 s1  }
0x222: {  	[bflag:$0x3] =	sbarrier.arrive $0xFFFF  }
0x223: {  	_ =	shalt  }

</sc_bundles>
